<compile_context>
chip_gen: v7x
topology: tpu7x:2x2x1
jax: 0.10.2.dev20260603
libtpu: 0.0.44.dev20260713+nightly
codegen_flags: <defaults>
</compile_context>

<pallas_src>
import functools

import jax
import jax.numpy as jnp
from jax import lax
from jax.experimental import pallas as pl
from jax.experimental.pallas import tpu as pltpu
from jax.experimental.pallas import tpu_sc as plsc

NC = 2
NS = 16
CH = 128


@functools.partial(jax.jit, static_argnums=(3, 4, 5, 6))
def _segment_sum_sc(x, src2, dst2, n, n_pad, dh, nb):
    mesh = plsc.VectorSubcoreMesh(core_axis_name="c", subcore_axis_name="s")
    rpt = n_pad // NS
    rx = n // NS
    g = nb // NS
    xtra = nb - g * NS
    hg = g // 2
    ntri = hg // 3
    rem = hg - 3 * ntri

    @functools.partial(
        pl.kernel,
        out_type=jax.ShapeDtypeStruct((NC, n_pad, dh), jnp.float32),
        mesh=mesh,
        compiler_params=pltpu.CompilerParams(
            use_tc_tiling_on_sc=False,
            disable_bounds_checks=True,
            disable_semaphore_checks=True,
        ),
        scratch_types=[
            pltpu.VMEM((hg + 1, CH), jnp.int32),
            pltpu.VMEM((hg + 1, CH), jnp.int32),
            pltpu.VMEM((CH, dh), jnp.float32),
            pltpu.VMEM((CH, dh), jnp.float32),
            pltpu.VMEM((CH, dh), jnp.float32),
            pltpu.VMEM_SHARED((n_pad, dh), jnp.float32),
            pltpu.VMEM_SHARED((n_pad, dh), jnp.float32),
            pltpu.SemaphoreType.DMA,
            pltpu.SemaphoreType.DMA,
            pltpu.SemaphoreType.DMA,
            pltpu.SemaphoreType.DMA,
        ],
    )
    def scatter_kernel(x_hbm, src_hbm, dst_hbm, zer_hbm, out_hbm,
                       idx_s, idx_d, r0, r1, r2, xsh, acc,
                       sem0, sem1, sem2, isem):
        c = lax.axis_index("c")
        s = lax.axis_index("s")

        dx = pltpu.async_copy(x_hbm.at[pl.ds(s * rx, rx), pl.ds(c * dh, dh)],
                              xsh.at[pl.ds(s * rx, rx)], isem)
        dz = pltpu.async_copy(zer_hbm, acc.at[pl.ds(s * rpt, rpt)], isem)
        dx.wait()
        dz.wait()
        plsc.subcore_barrier()

        bufs = (r0, r1, r2)
        sems = (sem0, sem1, sem2)

        def gather(k, i):
            pltpu.async_copy(xsh.at[idx_s.at[k]], bufs[i], sems[i])

        def wait_scatter(k, i):
            pltpu.make_async_copy(xsh.at[idx_s.at[k]], bufs[i], sems[i]).wait()
            pltpu.sync_copy(bufs[i], acc.at[idx_d.at[k]], add=True)

        for h in range(2):
            pltpu.sync_copy(src_hbm.at[pl.ds(s * g + h * hg, hg)],
                            idx_s.at[pl.ds(0, hg)])
            pltpu.sync_copy(dst_hbm.at[pl.ds(s * g + h * hg, hg)],
                            idx_d.at[pl.ds(0, hg)])
            if h == 1:
                @pl.when(s < xtra)
                def _():
                    pltpu.sync_copy(src_hbm.at[g * NS + s], idx_s.at[hg])
                    pltpu.sync_copy(dst_hbm.at[g * NS + s], idx_d.at[hg])

            gather(0, 0)
            gather(1, 1)
            gather(2, 2)

            def body(t, carry):
                k0 = 3 * t
                for i in range(3):
                    wait_scatter(k0 + i, i)
                    gather(k0 + i + 3, i)
                return carry

            lax.fori_loop(0, ntri - 1, body, 0)

            for i in range(3):
                wait_scatter(3 * (ntri - 1) + i, i)
                if rem > i:
                    gather(3 * ntri + i, i)
            for i in range(rem):
                wait_scatter(3 * ntri + i, i)

            if h == 1:
                @pl.when(s < xtra)
                def _():
                    pltpu.sync_copy(xsh.at[idx_s.at[hg]], r0)
                    pltpu.sync_copy(r0, acc.at[idx_d.at[hg]], add=True)

        plsc.subcore_barrier()
        pltpu.sync_copy(acc.at[pl.ds(s * rpt, rpt)],
                        out_hbm.at[c].at[pl.ds(s * rpt, rpt)])

    zer = jnp.zeros((rpt, dh), jnp.float32)
    return scatter_kernel(x, src2, dst2, zer)


def kernel(x, edge_index, mask):
    n, d = x.shape
    e = edge_index.shape[1]
    dh = d // NC
    n_pad = ((n + 8 * NS - 1) // (8 * NS)) * (8 * NS)
    if n_pad == n:
        n_pad += 8 * NS
    nb = e // CH
    src2 = edge_index[0].reshape(nb, CH)
    dst2 = edge_index[1].reshape(nb, CH)
    out2 = _segment_sum_sc(x, src2, dst2, n, n_pad, dh, nb)
    return jnp.concatenate([out2[0, :n], out2[1, :n]], axis=1)

# --- scband reference (transcript-rebuilt; emitter-appended) ---
"""Pipeline reference for scband-message-passing-multi-quant-20418274525751 (READ-ONLY COPY).

The authoritative reference and input builder live on the scoring server;
editing this copy changes nothing except your own understanding.
"""

import jax, jax.numpy as jnp
import numpy as np

N = 10000
D = 128
E = 320000


def setup_inputs(seed: int = 0) -> dict:
    key = jax.random.key(seed)
    k1, k2, k3 = jax.random.split(key, 3)
    x = jax.random.normal(k1, (N, D), dtype=jnp.float32)
    edge_index = jax.random.randint(k2, (2, E), 0, N, dtype=jnp.int32)
    mask = jax.random.randint(k3, (N,), 0, 2, dtype=jnp.int32).astype(jnp.bool_)
    return {"x": x, "edge_index": edge_index, "mask": mask}


def reference(x, edge_index, mask):
    # flow = 'source_to_target' => i, j = (1, 0)
    # x_j gathered with edge_index[0]; aggregation index = edge_index[1]
    src = edge_index[0]
    dst = edge_index[1]

    # message(x_j) = x_j
    msg = jnp.take(x, src, axis=0)

    # Degree-Quant training path: split messages by per-edge mask (gathered from
    # node mask at source nodes) and quantize each partition. The provided
    # quantizers are identity (mp_quantizers={}), so high/low quant are no-ops,
    # but the masked-select/masked-write structure is preserved.
    edge_mask = jnp.take(mask, src, axis=0)
    msg_high = msg  # mp_quantizers['message_high'](msg[edge_mask])
    msg_low = msg   # mp_quantizers['message_low'](msg[~edge_mask])
    out = jnp.where(edge_mask[:, None], msg_high, msg_low)

    # aggregate: scatter-add over destination index, dim_size = N
    aggr = jax.ops.segment_sum(out, dst, num_segments=N)

    aggr_high = aggr  # mp_quantizers['aggregate_high'](aggr[mask])
    aggr_low = aggr   # mp_quantizers['aggregate_low'](aggr[~mask])
    out = jnp.where(mask[:, None], aggr_high, aggr_low)

    # update(inputs) = inputs
    upd = out
    upd_high = upd  # mp_quantizers['update_high'](upd[mask])
    upd_low = upd   # mp_quantizers['update_low'](upd[~mask])
    out = jnp.where(mask[:, None], upd_high, upd_low)
    return out

if __name__ == "__main__":
    import jax
    _d = setup_inputs()
    print(jax.jit(kernel)(*tuple(_d.values())))

</pallas_src>

<mosaic_0001>
#map = affine_map<(d0, d1) -> (0, 0)>
#map1 = affine_map<(d0, d1) -> (0, 0, 0)>
module attributes {stable_mosaic.version = 14 : i64} {
  func.func @scatter_kernel(%arg0: i32, %arg1: i32, %arg2: memref<10000x128xf32, #tpu.memory_space<hbm>>, %arg3: memref<2500x128xi32, #tpu.memory_space<hbm>>, %arg4: memref<2500x128xi32, #tpu.memory_space<hbm>>, %arg5: memref<632x64xf32, #tpu.memory_space<hbm>>, %arg6: memref<2x10112x64xf32, #tpu.memory_space<hbm>>, %arg7: memref<79x128xi32, #tpu.memory_space<vmem>>, %arg8: memref<79x128xi32, #tpu.memory_space<vmem>>, %arg9: memref<128x64xf32, #tpu.memory_space<vmem>>, %arg10: memref<128x64xf32, #tpu.memory_space<vmem>>, %arg11: memref<128x64xf32, #tpu.memory_space<vmem>>, %arg12: memref<10112x64xf32, #tpu.memory_space<vmem_shared>>, %arg13: memref<10112x64xf32, #tpu.memory_space<vmem_shared>>, %arg14: memref<!tpu.dma_semaphore, #tpu.memory_space<semaphore_mem>>, %arg15: memref<!tpu.dma_semaphore, #tpu.memory_space<semaphore_mem>>, %arg16: memref<!tpu.dma_semaphore, #tpu.memory_space<semaphore_mem>>, %arg17: memref<!tpu.dma_semaphore, #tpu.memory_space<semaphore_mem>>) attributes {dimension_semantics = [#tpu.dimension_semantics<core_parallel>, #tpu.dimension_semantics<subcore_parallel>], iteration_bounds = array<i64: 2, 16>, scalar_prefetch = 0 : i64, scratch_operands = 11 : i64, tpu.core_type = #tpu.core_type<sc_vector_subcore>, window_params = [{transform_indices = #map}, {transform_indices = #map}, {transform_indices = #map}, {transform_indices = #map}, {transform_indices = #map1}]} {
    %mul3A = arith.constant 625 : i32
    %mul3A_0 = arith.muli %arg1, %mul3A : i32
    %mul3A_1 = arith.constant 64 : i32
    %mul3A_2 = arith.muli %arg0, %mul3A_1 : i32
    %mul3A_3 = arith.constant 625 : i32
    %mul3A_4 = arith.muli %arg1, %mul3A_3 : i32
    %dma_start3A = arith.constant 0 : i32
    %dma_start3A_5 = tpu.memref_slice %arg12[%mul3A_4, %dma_start3A] : memref<10112x64xf32, #tpu.memory_space<vmem_shared>> -> memref<625x64xf32, #tpu.memory_space<vmem_shared>>
    %dma_start3A_6 = tpu.memref_slice %arg2[%mul3A_0, %mul3A_2] : memref<10000x128xf32, #tpu.memory_space<hbm>> -> memref<625x64xf32, #tpu.memory_space<hbm>>
    tpu.enqueue_dma source(%dma_start3A_6 : memref<625x64xf32, #tpu.memory_space<hbm>>) target(%dma_start3A_5 : memref<625x64xf32, #tpu.memory_space<vmem_shared>>) target_semaphore(%arg17 : memref<!tpu.dma_semaphore, #tpu.memory_space<semaphore_mem>>)
    %mul3A_7 = arith.constant 632 : i32
    %mul3A_8 = arith.muli %arg1, %mul3A_7 : i32
    %dma_start3A_9 = arith.constant 0 : i32
    %dma_start3A_10 = tpu.memref_slice %arg13[%mul3A_8, %dma_start3A_9] : memref<10112x64xf32, #tpu.memory_space<vmem_shared>> -> memref<632x64xf32, #tpu.memory_space<vmem_shared>>
    tpu.enqueue_dma source(%arg5 : memref<632x64xf32, #tpu.memory_space<hbm>>) target(%dma_start3A_10 : memref<632x64xf32, #tpu.memory_space<vmem_shared>>) target_semaphore(%arg17 : memref<!tpu.dma_semaphore, #tpu.memory_space<semaphore_mem>>)
    %dma_wait3A = arith.constant 0 : i32
    %dma_wait3A_11 = tpu.memref_slice %arg12[%mul3A_4, %dma_wait3A] : memref<10112x64xf32, #tpu.memory_space<vmem_shared>> -> memref<625x64xf32, #tpu.memory_space<vmem_shared>>
    %dma_wait3A_12 = tpu.memref_slice %arg2[%mul3A_0, %mul3A_2] : memref<10000x128xf32, #tpu.memory_space<hbm>> -> memref<625x64xf32, #tpu.memory_space<hbm>>
    tpu.wait_dma2 semaphore(%arg17 : memref<!tpu.dma_semaphore, #tpu.memory_space<semaphore_mem>>) src(%dma_wait3A_12 : memref<625x64xf32, #tpu.memory_space<hbm>>) dst(%dma_wait3A_11 : memref<625x64xf32, #tpu.memory_space<vmem_shared>>)
    %dma_wait3A_13 = arith.constant 0 : i32
    %dma_wait3A_14 = tpu.memref_slice %arg13[%mul3A_8, %dma_wait3A_13] : memref<10112x64xf32, #tpu.memory_space<vmem_shared>> -> memref<632x64xf32, #tpu.memory_space<vmem_shared>>
    tpu.wait_dma2 semaphore(%arg17 : memref<!tpu.dma_semaphore, #tpu.memory_space<semaphore_mem>>) src(%arg5 : memref<632x64xf32, #tpu.memory_space<hbm>>) dst(%dma_wait3A_14 : memref<632x64xf32, #tpu.memory_space<vmem_shared>>)
    %barrier3A = arith.constant 0 : index
    tpu.barrier barrier_id(%barrier3A)
    %mul3A_15 = arith.constant 156 : i32
    %mul3A_16 = arith.muli %arg1, %mul3A_15 : i32
    %add3A = arith.constant 0 : i32
    %add3A_17 = arith.addi %mul3A_16, %add3A : i32
    "tpu.region"() ({
      %run_scoped3A_142 = tpu.sem_alloc : memref<!tpu.dma_semaphore, #tpu.memory_space<semaphore_mem>>
      %dma_start3A_143 = arith.constant 0 : i32
      %dma_start3A_144 = arith.constant 0 : i32
      %dma_start3A_145 = tpu.memref_slice %arg7[%dma_start3A_143, %dma_start3A_144] : memref<79x128xi32, #tpu.memory_space<vmem>> -> memref<78x128xi32, #tpu.memory_space<vmem>>
      %dma_start3A_146 = arith.constant 0 : i32
      %dma_start3A_147 = tpu.memref_slice %arg3[%add3A_17, %dma_start3A_146] : memref<2500x128xi32, #tpu.memory_space<hbm>> -> memref<78x128xi32, #tpu.memory_space<hbm>>
      %dma_start3A_148 = arith.constant 0 : i32
      %dma_start3A_149 = arith.constant 0 : i32
      %dma_start3A_150 = tpu.memref_slice %arg7[%dma_start3A_148, %dma_start3A_149] : memref<79x128xi32, #tpu.memory_space<vmem>> -> memref<78x128xi32, #tpu.memory_space<vmem>>
      %dma_start3A_151 = arith.constant 0 : i32
      %dma_start3A_152 = tpu.memref_slice %arg3[%add3A_17, %dma_start3A_151] : memref<2500x128xi32, #tpu.memory_space<hbm>> -> memref<78x128xi32, #tpu.memory_space<hbm>>
      tpu.enqueue_dma source(%dma_start3A_152 : memref<78x128xi32, #tpu.memory_space<hbm>>) target(%dma_start3A_150 : memref<78x128xi32, #tpu.memory_space<vmem>>) target_semaphore(%run_scoped3A_142 : memref<!tpu.dma_semaphore, #tpu.memory_space<semaphore_mem>>)
      %dma_wait3A_153 = arith.constant 0 : i32
      %dma_wait3A_154 = arith.constant 0 : i32
      %dma_wait3A_155 = tpu.memref_slice %arg7[%dma_wait3A_153, %dma_wait3A_154] : memref<79x128xi32, #tpu.memory_space<vmem>> -> memref<78x128xi32, #tpu.memory_space<vmem>>
      %dma_wait3A_156 = arith.constant 0 : i32
      %dma_wait3A_157 = tpu.memref_slice %arg3[%add3A_17, %dma_wait3A_156] : memref<2500x128xi32, #tpu.memory_space<hbm>> -> memref<78x128xi32, #tpu.memory_space<hbm>>
      %dma_wait3A_158 = arith.constant 0 : i32
      %dma_wait3A_159 = arith.constant 0 : i32
      %dma_wait3A_160 = tpu.memref_slice %arg7[%dma_wait3A_158, %dma_wait3A_159] : memref<79x128xi32, #tpu.memory_space<vmem>> -> memref<78x128xi32, #tpu.memory_space<vmem>>
      %dma_wait3A_161 = arith.constant 0 : i32
      %dma_wait3A_162 = tpu.memref_slice %arg3[%add3A_17, %dma_wait3A_161] : memref<2500x128xi32, #tpu.memory_space<hbm>> -> memref<78x128xi32, #tpu.memory_space<hbm>>
      tpu.wait_dma2 semaphore(%run_scoped3A_142 : memref<!tpu.dma_semaphore, #tpu.memory_space<semaphore_mem>>) src(%dma_wait3A_162 : memref<78x128xi32, #tpu.memory_space<hbm>>) dst(%dma_wait3A_160 : memref<78x128xi32, #tpu.memory_space<vmem>>)
      tpu.yield
    }) : () -> ()
    %mul3A_18 = arith.constant 156 : i32
    %mul3A_19 = arith.muli %arg1, %mul3A_18 : i32
    %add3A_20 = arith.constant 0 : i32
    %add3A_21 = arith.addi %mul3A_19, %add3A_20 : i32
    "tpu.region"() ({
      %run_scoped3A_142 = tpu.sem_alloc : memref<!tpu.dma_semaphore, #tpu.memory_space<semaphore_mem>>
      %dma_start3A_143 = arith.constant 0 : i32
      %dma_start3A_144 = arith.constant 0 : i32
      %dma_start3A_145 = tpu.memref_slice %arg8[%dma_start3A_143, %dma_start3A_144] : memref<79x128xi32, #tpu.memory_space<vmem>> -> memref<78x128xi32, #tpu.memory_space<vmem>>
      %dma_start3A_146 = arith.constant 0 : i32
      %dma_start3A_147 = tpu.memref_slice %arg4[%add3A_21, %dma_start3A_146] : memref<2500x128xi32, #tpu.memory_space<hbm>> -> memref<78x128xi32, #tpu.memory_space<hbm>>
      %dma_start3A_148 = arith.constant 0 : i32
      %dma_start3A_149 = arith.constant 0 : i32
      %dma_start3A_150 = tpu.memref_slice %arg8[%dma_start3A_148, %dma_start3A_149] : memref<79x128xi32, #tpu.memory_space<vmem>> -> memref<78x128xi32, #tpu.memory_space<vmem>>
      %dma_start3A_151 = arith.constant 0 : i32
      %dma_start3A_152 = tpu.memref_slice %arg4[%add3A_21, %dma_start3A_151] : memref<2500x128xi32, #tpu.memory_space<hbm>> -> memref<78x128xi32, #tpu.memory_space<hbm>>
      tpu.enqueue_dma source(%dma_start3A_152 : memref<78x128xi32, #tpu.memory_space<hbm>>) target(%dma_start3A_150 : memref<78x128xi32, #tpu.memory_space<vmem>>) target_semaphore(%run_scoped3A_142 : memref<!tpu.dma_semaphore, #tpu.memory_space<semaphore_mem>>)
      %dma_wait3A_153 = arith.constant 0 : i32
      %dma_wait3A_154 = arith.constant 0 : i32
      %dma_wait3A_155 = tpu.memref_slice %arg8[%dma_wait3A_153, %dma_wait3A_154] : memref<79x128xi32, #tpu.memory_space<vmem>> -> memref<78x128xi32, #tpu.memory_space<vmem>>
      %dma_wait3A_156 = arith.constant 0 : i32
      %dma_wait3A_157 = tpu.memref_slice %arg4[%add3A_21, %dma_wait3A_156] : memref<2500x128xi32, #tpu.memory_space<hbm>> -> memref<78x128xi32, #tpu.memory_space<hbm>>
      %dma_wait3A_158 = arith.constant 0 : i32
      %dma_wait3A_159 = arith.constant 0 : i32
      %dma_wait3A_160 = tpu.memref_slice %arg8[%dma_wait3A_158, %dma_wait3A_159] : memref<79x128xi32, #tpu.memory_space<vmem>> -> memref<78x128xi32, #tpu.memory_space<vmem>>
      %dma_wait3A_161 = arith.constant 0 : i32
      %dma_wait3A_162 = tpu.memref_slice %arg4[%add3A_21, %dma_wait3A_161] : memref<2500x128xi32, #tpu.memory_space<hbm>> -> memref<78x128xi32, #tpu.memory_space<hbm>>
      tpu.wait_dma2 semaphore(%run_scoped3A_142 : memref<!tpu.dma_semaphore, #tpu.memory_space<semaphore_mem>>) src(%dma_wait3A_162 : memref<78x128xi32, #tpu.memory_space<hbm>>) dst(%dma_wait3A_160 : memref<78x128xi32, #tpu.memory_space<vmem>>)
      tpu.yield
    }) : () -> ()
    %dma_start3A_22 = arith.constant 0 : i32
    %dma_start3A_23 = arith.constant 0 : i32
    %dma_start3A_24 = tpu.memref_slice %arg7[%dma_start3A_22, %dma_start3A_23] : memref<79x128xi32, #tpu.memory_space<vmem>> -> memref<1x128xi32, #tpu.memory_space<vmem>>
    %dma_start3A_25 = tpu.memref_squeeze %dma_start3A_24 : memref<1x128xi32, #tpu.memory_space<vmem>> -> memref<128xi32, #tpu.memory_space<vmem>>
    %dma_start3A_26 = arith.constant 0 : i32
    %dma_start3A_27 = arith.constant 0 : i32
    %dma_start3A_28 = tpu.memref_slice %arg12[%dma_start3A_26, %dma_start3A_27] : memref<10112x64xf32, #tpu.memory_space<vmem_shared>> -> memref<10112x64xf32, #tpu.memory_space<vmem_shared>>
    tpu.enqueue_indirect_dma source(%dma_start3A_28 : memref<10112x64xf32, #tpu.memory_space<vmem_shared>>) target(%arg9 : memref<128x64xf32, #tpu.memory_space<vmem>>) offsets(%dma_start3A_25 : memref<128xi32, #tpu.memory_space<vmem>>) semaphore(%arg14 : memref<!tpu.dma_semaphore, #tpu.memory_space<semaphore_mem>>)
    %dma_start3A_29 = arith.constant 1 : i32
    %dma_start3A_30 = arith.constant 0 : i32
    %dma_start3A_31 = tpu.memref_slice %arg7[%dma_start3A_29, %dma_start3A_30] : memref<79x128xi32, #tpu.memory_space<vmem>> -> memref<1x128xi32, #tpu.memory_space<vmem>>
    %dma_start3A_32 = tpu.memref_squeeze %dma_start3A_31 : memref<1x128xi32, #tpu.memory_space<vmem>> -> memref<128xi32, #tpu.memory_space<vmem>>
    %dma_start3A_33 = arith.constant 0 : i32
    %dma_start3A_34 = arith.constant 0 : i32
    %dma_start3A_35 = tpu.memref_slice %arg12[%dma_start3A_33, %dma_start3A_34] : memref<10112x64xf32, #tpu.memory_space<vmem_shared>> -> memref<10112x64xf32, #tpu.memory_space<vmem_shared>>
    tpu.enqueue_indirect_dma source(%dma_start3A_35 : memref<10112x64xf32, #tpu.memory_space<vmem_shared>>) target(%arg10 : memref<128x64xf32, #tpu.memory_space<vmem>>) offsets(%dma_start3A_32 : memref<128xi32, #tpu.memory_space<vmem>>) semaphore(%arg15 : memref<!tpu.dma_semaphore, #tpu.memory_space<semaphore_mem>>)
    %dma_start3A_36 = arith.constant 2 : i32
    %dma_start3A_37 = arith.constant 0 : i32
    %dma_start3A_38 = tpu.memref_slice %arg7[%dma_start3A_36, %dma_start3A_37] : memref<79x128xi32, #tpu.memory_space<vmem>> -> memref<1x128xi32, #tpu.memory_space<vmem>>
    %dma_start3A_39 = tpu.memref_squeeze %dma_start3A_38 : memref<1x128xi32, #tpu.memory_space<vmem>> -> memref<128xi32, #tpu.memory_space<vmem>>
    %dma_start3A_40 = arith.constant 0 : i32
    %dma_start3A_41 = arith.constant 0 : i32
    %dma_start3A_42 = tpu.memref_slice %arg12[%dma_start3A_40, %dma_start3A_41] : memref<10112x64xf32, #tpu.memory_space<vmem_shared>> -> memref<10112x64xf32, #tpu.memory_space<vmem_shared>>
    tpu.enqueue_indirect_dma source(%dma_start3A_42 : memref<10112x64xf32, #tpu.memory_space<vmem_shared>>) target(%arg11 : memref<128x64xf32, #tpu.memory_space<vmem>>) offsets(%dma_start3A_39 : memref<128xi32, #tpu.memory_space<vmem>>) semaphore(%arg16 : memref<!tpu.dma_semaphore, #tpu.memory_space<semaphore_mem>>)
    %scan3A = arith.constant 0 : i32
    %scan3A_43 = arith.constant 0 : i32
    %scan3A_44 = arith.constant 25 : i32
    %scan3A_45 = arith.addi %scan3A_43, %scan3A_44 : i32
    %scan3A_46 = arith.constant 1 : i32
    scf.for %scan3A_142 = %scan3A_43 to %scan3A_45 step %scan3A_46  : i32 {
      %mul3A_143 = arith.constant 3 : i32
      %mul3A_144 = arith.muli %mul3A_143, %scan3A_142 : i32
      %add3A_145 = arith.constant 0 : i32
      %add3A_146 = arith.addi %mul3A_144, %add3A_145 : i32
      %dma_wait3A_147 = arith.constant 0 : i32
      %dma_wait3A_148 = tpu.memref_slice %arg7[%add3A_146, %dma_wait3A_147] : memref<79x128xi32, #tpu.memory_space<vmem>> -> memref<1x128xi32, #tpu.memory_space<vmem>>
      %dma_wait3A_149 = tpu.memref_squeeze %dma_wait3A_148 : memref<1x128xi32, #tpu.memory_space<vmem>> -> memref<128xi32, #tpu.memory_space<vmem>>
      %dma_wait3A_150 = arith.constant 0 : i32
      %dma_wait3A_151 = arith.constant 0 : i32
      %dma_wait3A_152 = tpu.memref_slice %arg12[%dma_wait3A_150, %dma_wait3A_151] : memref<10112x64xf32, #tpu.memory_space<vmem_shared>> -> memref<10112x64xf32, #tpu.memory_space<vmem_shared>>
      tpu.wait_indirect_dma semaphore(%arg14 : memref<!tpu.dma_semaphore, #tpu.memory_space<semaphore_mem>>) src(%dma_wait3A_152 : memref<10112x64xf32, #tpu.memory_space<vmem_shared>>) dst(%arg9 : memref<128x64xf32, #tpu.memory_space<vmem>>)
      "tpu.region"() ({
        %run_scoped3A_199 = tpu.sem_alloc : memref<!tpu.dma_semaphore, #tpu.memory_space<semaphore_mem>>
        %dma_start3A_200 = arith.constant 0 : i32
        %dma_start3A_201 = tpu.memref_slice %arg8[%add3A_146, %dma_start3A_200] : memref<79x128xi32, #tpu.memory_space<vmem>> -> memref<1x128xi32, #tpu.memory_space<vmem>>
        %dma_start3A_202 = tpu.memref_squeeze %dma_start3A_201 : memref<1x128xi32, #tpu.memory_space<vmem>> -> memref<128xi32, #tpu.memory_space<vmem>>
        %dma_start3A_203 = arith.constant 0 : i32
        %dma_start3A_204 = arith.constant 0 : i32
        %dma_start3A_205 = tpu.memref_slice %arg13[%dma_start3A_203, %dma_start3A_204] : memref<10112x64xf32, #tpu.memory_space<vmem_shared>> -> memref<10112x64xf32, #tpu.memory_space<vmem_shared>>
        tpu.enqueue_indirect_dma source(%arg9 : memref<128x64xf32, #tpu.memory_space<vmem>>) target(%dma_start3A_205 : memref<10112x64xf32, #tpu.memory_space<vmem_shared>>) offsets(%dma_start3A_202 : memref<128xi32, #tpu.memory_space<vmem>>) semaphore(%run_scoped3A_199 : memref<!tpu.dma_semaphore, #tpu.memory_space<semaphore_mem>>) {add = true}
        %dma_wait3A_206 = arith.constant 0 : i32
        %dma_wait3A_207 = tpu.memref_slice %arg8[%add3A_146, %dma_wait3A_206] : memref<79x128xi32, #tpu.memory_space<vmem>> -> memref<1x128xi32, #tpu.memory_space<vmem>>
        %dma_wait3A_208 = tpu.memref_squeeze %dma_wait3A_207 : memref<1x128xi32, #tpu.memory_space<vmem>> -> memref<128xi32, #tpu.memory_space<vmem>>
        %dma_wait3A_209 = arith.constant 0 : i32
        %dma_wait3A_210 = arith.constant 0 : i32
        %dma_wait3A_211 = tpu.memref_slice %arg13[%dma_wait3A_209, %dma_wait3A_210] : memref<10112x64xf32, #tpu.memory_space<vmem_shared>> -> memref<10112x64xf32, #tpu.memory_space<vmem_shared>>
        tpu.wait_indirect_dma semaphore(%run_scoped3A_199 : memref<!tpu.dma_semaphore, #tpu.memory_space<semaphore_mem>>) src(%arg9 : memref<128x64xf32, #tpu.memory_space<vmem>>) dst(%dma_wait3A_211 : memref<10112x64xf32, #tpu.memory_space<vmem_shared>>)
        tpu.yield
      }) : () -> ()
      %add3A_153 = arith.constant 0 : i32
      %add3A_154 = arith.addi %mul3A_144, %add3A_153 : i32
      %add3A_155 = arith.constant 3 : i32
      %add3A_156 = arith.addi %add3A_154, %add3A_155 : i32
      %dma_start3A_157 = arith.constant 0 : i32
      %dma_start3A_158 = tpu.memref_slice %arg7[%add3A_156, %dma_start3A_157] : memref<79x128xi32, #tpu.memory_space<vmem>> -> memref<1x128xi32, #tpu.memory_space<vmem>>
      %dma_start3A_159 = tpu.memref_squeeze %dma_start3A_158 : memref<1x128xi32, #tpu.memory_space<vmem>> -> memref<128xi32, #tpu.memory_space<vmem>>
      %dma_start3A_160 = arith.constant 0 : i32
      %dma_start3A_161 = arith.constant 0 : i32
      %dma_start3A_162 = tpu.memref_slice %arg12[%dma_start3A_160, %dma_start3A_161] : memref<10112x64xf32, #tpu.memory_space<vmem_shared>> -> memref<10112x64xf32, #tpu.memory_space<vmem_shared>>
      tpu.enqueue_indirect_dma source(%dma_start3A_162 : memref<10112x64xf32, #tpu.memory_space<vmem_shared>>) target(%arg9 : memref<128x64xf32, #tpu.memory_space<vmem>>) offsets(%dma_start3A_159 : memref<128xi32, #tpu.memory_space<vmem>>) semaphore(%arg14 : memref<!tpu.dma_semaphore, #tpu.memory_space<semaphore_mem>>)
      %add3A_163 = arith.constant 1 : i32
      %add3A_164 = arith.addi %mul3A_144, %add3A_163 : i32
      %dma_wait3A_165 = arith.constant 0 : i32
      %dma_wait3A_166 = tpu.memref_slice %arg7[%add3A_164, %dma_wait3A_165] : memref<79x128xi32, #tpu.memory_space<vmem>> -> memref<1x128xi32, #tpu.memory_space<vmem>>
      %dma_wait3A_167 = tpu.memref_squeeze %dma_wait3A_166 : memref<1x128xi32, #tpu.memory_space<vmem>> -> memref<128xi32, #tpu.memory_space<vmem>>
      %dma_wait3A_168 = arith.constant 0 : i32
      %dma_wait3A_169 = arith.constant 0 : i32
      %dma_wait3A_170 = tpu.memref_slice %arg12[%dma_wait3A_168, %dma_wait3A_169] : memref<10112x64xf32, #tpu.memory_space<vmem_shared>> -> memref<10112x64xf32, #tpu.memory_space<vmem_shared>>
      tpu.wait_indirect_dma semaphore(%arg15 : memref<!tpu.dma_semaphore, #tpu.memory_space<semaphore_mem>>) src(%dma_wait3A_170 : memref<10112x64xf32, #tpu.memory_space<vmem_shared>>) dst(%arg10 : memref<128x64xf32, #tpu.memory_space<vmem>>)
      "tpu.region"() ({
        %run_scoped3A_199 = tpu.sem_alloc : memref<!tpu.dma_semaphore, #tpu.memory_space<semaphore_mem>>
        %dma_start3A_200 = arith.constant 0 : i32
        %dma_start3A_201 = tpu.memref_slice %arg8[%add3A_164, %dma_start3A_200] : memref<79x128xi32, #tpu.memory_space<vmem>> -> memref<1x128xi32, #tpu.memory_space<vmem>>
        %dma_start3A_202 = tpu.memref_squeeze %dma_start3A_201 : memref<1x128xi32, #tpu.memory_space<vmem>> -> memref<128xi32, #tpu.memory_space<vmem>>
        %dma_start3A_203 = arith.constant 0 : i32
        %dma_start3A_204 = arith.constant 0 : i32
        %dma_start3A_205 = tpu.memref_slice %arg13[%dma_start3A_203, %dma_start3A_204] : memref<10112x64xf32, #tpu.memory_space<vmem_shared>> -> memref<10112x64xf32, #tpu.memory_space<vmem_shared>>
        tpu.enqueue_indirect_dma source(%arg10 : memref<128x64xf32, #tpu.memory_space<vmem>>) target(%dma_start3A_205 : memref<10112x64xf32, #tpu.memory_space<vmem_shared>>) offsets(%dma_start3A_202 : memref<128xi32, #tpu.memory_space<vmem>>) semaphore(%run_scoped3A_199 : memref<!tpu.dma_semaphore, #tpu.memory_space<semaphore_mem>>) {add = true}
        %dma_wait3A_206 = arith.constant 0 : i32
        %dma_wait3A_207 = tpu.memref_slice %arg8[%add3A_164, %dma_wait3A_206] : memref<79x128xi32, #tpu.memory_space<vmem>> -> memref<1x128xi32, #tpu.memory_space<vmem>>
        %dma_wait3A_208 = tpu.memref_squeeze %dma_wait3A_207 : memref<1x128xi32, #tpu.memory_space<vmem>> -> memref<128xi32, #tpu.memory_space<vmem>>
        %dma_wait3A_209 = arith.constant 0 : i32
        %dma_wait3A_210 = arith.constant 0 : i32
        %dma_wait3A_211 = tpu.memref_slice %arg13[%dma_wait3A_209, %dma_wait3A_210] : memref<10112x64xf32, #tpu.memory_space<vmem_shared>> -> memref<10112x64xf32, #tpu.memory_space<vmem_shared>>
        tpu.wait_indirect_dma semaphore(%run_scoped3A_199 : memref<!tpu.dma_semaphore, #tpu.memory_space<semaphore_mem>>) src(%arg10 : memref<128x64xf32, #tpu.memory_space<vmem>>) dst(%dma_wait3A_211 : memref<10112x64xf32, #tpu.memory_space<vmem_shared>>)
        tpu.yield
      }) : () -> ()
      %add3A_171 = arith.constant 1 : i32
      %add3A_172 = arith.addi %mul3A_144, %add3A_171 : i32
      %add3A_173 = arith.constant 3 : i32
      %add3A_174 = arith.addi %add3A_172, %add3A_173 : i32
      %dma_start3A_175 = arith.constant 0 : i32
      %dma_start3A_176 = tpu.memref_slice %arg7[%add3A_174, %dma_start3A_175] : memref<79x128xi32, #tpu.memory_space<vmem>> -> memref<1x128xi32, #tpu.memory_space<vmem>>
      %dma_start3A_177 = tpu.memref_squeeze %dma_start3A_176 : memref<1x128xi32, #tpu.memory_space<vmem>> -> memref<128xi32, #tpu.memory_space<vmem>>
      %dma_start3A_178 = arith.constant 0 : i32
      %dma_start3A_179 = arith.constant 0 : i32
      %dma_start3A_180 = tpu.memref_slice %arg12[%dma_start3A_178, %dma_start3A_179] : memref<10112x64xf32, #tpu.memory_space<vmem_shared>> -> memref<10112x64xf32, #tpu.memory_space<vmem_shared>>
      tpu.enqueue_indirect_dma source(%dma_start3A_180 : memref<10112x64xf32, #tpu.memory_space<vmem_shared>>) target(%arg10 : memref<128x64xf32, #tpu.memory_space<vmem>>) offsets(%dma_start3A_177 : memref<128xi32, #tpu.memory_space<vmem>>) semaphore(%arg15 : memref<!tpu.dma_semaphore, #tpu.memory_space<semaphore_mem>>)
      %add3A_181 = arith.constant 2 : i32
      %add3A_182 = arith.addi %mul3A_144, %add3A_181 : i32
      %dma_wait3A_183 = arith.constant 0 : i32
      %dma_wait3A_184 = tpu.memref_slice %arg7[%add3A_182, %dma_wait3A_183] : memref<79x128xi32, #tpu.memory_space<vmem>> -> memref<1x128xi32, #tpu.memory_space<vmem>>
      %dma_wait3A_185 = tpu.memref_squeeze %dma_wait3A_184 : memref<1x128xi32, #tpu.memory_space<vmem>> -> memref<128xi32, #tpu.memory_space<vmem>>
      %dma_wait3A_186 = arith.constant 0 : i32
      %dma_wait3A_187 = arith.constant 0 : i32
      %dma_wait3A_188 = tpu.memref_slice %arg12[%dma_wait3A_186, %dma_wait3A_187] : memref<10112x64xf32, #tpu.memory_space<vmem_shared>> -> memref<10112x64xf32, #tpu.memory_space<vmem_shared>>
      tpu.wait_indirect_dma semaphore(%arg16 : memref<!tpu.dma_semaphore, #tpu.memory_space<semaphore_mem>>) src(%dma_wait3A_188 : memref<10112x64xf32, #tpu.memory_space<vmem_shared>>) dst(%arg11 : memref<128x64xf32, #tpu.memory_space<vmem>>)
      "tpu.region"() ({
        %run_scoped3A_199 = tpu.sem_alloc : memref<!tpu.dma_semaphore, #tpu.memory_space<semaphore_mem>>
        %dma_start3A_200 = arith.constant 0 : i32
        %dma_start3A_201 = tpu.memref_slice %arg8[%add3A_182, %dma_start3A_200] : memref<79x128xi32, #tpu.memory_space<vmem>> -> memref<1x128xi32, #tpu.memory_space<vmem>>
        %dma_start3A_202 = tpu.memref_squeeze %dma_start3A_201 : memref<1x128xi32, #tpu.memory_space<vmem>> -> memref<128xi32, #tpu.memory_space<vmem>>
        %dma_start3A_203 = arith.constant 0 : i32
        %dma_start3A_204 = arith.constant 0 : i32
        %dma_start3A_205 = tpu.memref_slice %arg13[%dma_start3A_203, %dma_start3A_204] : memref<10112x64xf32, #tpu.memory_space<vmem_shared>> -> memref<10112x64xf32, #tpu.memory_space<vmem_shared>>
        tpu.enqueue_indirect_dma source(%arg11 : memref<128x64xf32, #tpu.memory_space<vmem>>) target(%dma_start3A_205 : memref<10112x64xf32, #tpu.memory_space<vmem_shared>>) offsets(%dma_start3A_202 : memref<128xi32, #tpu.memory_space<vmem>>) semaphore(%run_scoped3A_199 : memref<!tpu.dma_semaphore, #tpu.memory_space<semaphore_mem>>) {add = true}
        %dma_wait3A_206 = arith.constant 0 : i32
        %dma_wait3A_207 = tpu.memref_slice %arg8[%add3A_182, %dma_wait3A_206] : memref<79x128xi32, #tpu.memory_space<vmem>> -> memref<1x128xi32, #tpu.memory_space<vmem>>
        %dma_wait3A_208 = tpu.memref_squeeze %dma_wait3A_207 : memref<1x128xi32, #tpu.memory_space<vmem>> -> memref<128xi32, #tpu.memory_space<vmem>>
        %dma_wait3A_209 = arith.constant 0 : i32
        %dma_wait3A_210 = arith.constant 0 : i32
        %dma_wait3A_211 = tpu.memref_slice %arg13[%dma_wait3A_209, %dma_wait3A_210] : memref<10112x64xf32, #tpu.memory_space<vmem_shared>> -> memref<10112x64xf32, #tpu.memory_space<vmem_shared>>
        tpu.wait_indirect_dma semaphore(%run_scoped3A_199 : memref<!tpu.dma_semaphore, #tpu.memory_space<semaphore_mem>>) src(%arg11 : memref<128x64xf32, #tpu.memory_space<vmem>>) dst(%dma_wait3A_211 : memref<10112x64xf32, #tpu.memory_space<vmem_shared>>)
        tpu.yield
      }) : () -> ()
      %add3A_189 = arith.constant 2 : i32
      %add3A_190 = arith.addi %mul3A_144, %add3A_189 : i32
      %add3A_191 = arith.constant 3 : i32
      %add3A_192 = arith.addi %add3A_190, %add3A_191 : i32
      %dma_start3A_193 = arith.constant 0 : i32
      %dma_start3A_194 = tpu.memref_slice %arg7[%add3A_192, %dma_start3A_193] : memref<79x128xi32, #tpu.memory_space<vmem>> -> memref<1x128xi32, #tpu.memory_space<vmem>>
      %dma_start3A_195 = tpu.memref_squeeze %dma_start3A_194 : memref<1x128xi32, #tpu.memory_space<vmem>> -> memref<128xi32, #tpu.memory_space<vmem>>
      %dma_start3A_196 = arith.constant 0 : i32
      %dma_start3A_197 = arith.constant 0 : i32
      %dma_start3A_198 = tpu.memref_slice %arg12[%dma_start3A_196, %dma_start3A_197] : memref<10112x64xf32, #tpu.memory_space<vmem_shared>> -> memref<10112x64xf32, #tpu.memory_space<vmem_shared>>
      tpu.enqueue_indirect_dma source(%dma_start3A_198 : memref<10112x64xf32, #tpu.memory_space<vmem_shared>>) target(%arg11 : memref<128x64xf32, #tpu.memory_space<vmem>>) offsets(%dma_start3A_195 : memref<128xi32, #tpu.memory_space<vmem>>) semaphore(%arg16 : memref<!tpu.dma_semaphore, #tpu.memory_space<semaphore_mem>>)
    }
    %scan3A_47 = arith.constant 25 : i32
    %dma_wait3A_48 = arith.constant 75 : i32
    %dma_wait3A_49 = arith.constant 0 : i32
    %dma_wait3A_50 = tpu.memref_slice %arg7[%dma_wait3A_48, %dma_wait3A_49] : memref<79x128xi32, #tpu.memory_space<vmem>> -> memref<1x128xi32, #tpu.memory_space<vmem>>
    %dma_wait3A_51 = tpu.memref_squeeze %dma_wait3A_50 : memref<1x128xi32, #tpu.memory_space<vmem>> -> memref<128xi32, #tpu.memory_space<vmem>>
    %dma_wait3A_52 = arith.constant 0 : i32
    %dma_wait3A_53 = arith.constant 0 : i32
    %dma_wait3A_54 = tpu.memref_slice %arg12[%dma_wait3A_52, %dma_wait3A_53] : memref<10112x64xf32, #tpu.memory_space<vmem_shared>> -> memref<10112x64xf32, #tpu.memory_space<vmem_shared>>
    tpu.wait_indirect_dma semaphore(%arg14 : memref<!tpu.dma_semaphore, #tpu.memory_space<semaphore_mem>>) src(%dma_wait3A_54 : memref<10112x64xf32, #tpu.memory_space<vmem_shared>>) dst(%arg9 : memref<128x64xf32, #tpu.memory_space<vmem>>)
    %run_scoped3A = arith.constant 75 : i32
    "tpu.region"() ({
      %run_scoped3A_142 = tpu.sem_alloc : memref<!tpu.dma_semaphore, #tpu.memory_space<semaphore_mem>>
      %dma_start3A_143 = arith.constant 0 : i32
      %dma_start3A_144 = tpu.memref_slice %arg8[%run_scoped3A, %dma_start3A_143] : memref<79x128xi32, #tpu.memory_space<vmem>> -> memref<1x128xi32, #tpu.memory_space<vmem>>
      %dma_start3A_145 = tpu.memref_squeeze %dma_start3A_144 : memref<1x128xi32, #tpu.memory_space<vmem>> -> memref<128xi32, #tpu.memory_space<vmem>>
      %dma_start3A_146 = arith.constant 0 : i32
      %dma_start3A_147 = arith.constant 0 : i32
      %dma_start3A_148 = tpu.memref_slice %arg13[%dma_start3A_146, %dma_start3A_147] : memref<10112x64xf32, #tpu.memory_space<vmem_shared>> -> memref<10112x64xf32, #tpu.memory_space<vmem_shared>>
      tpu.enqueue_indirect_dma source(%arg9 : memref<128x64xf32, #tpu.memory_space<vmem>>) target(%dma_start3A_148 : memref<10112x64xf32, #tpu.memory_space<vmem_shared>>) offsets(%dma_start3A_145 : memref<128xi32, #tpu.memory_space<vmem>>) semaphore(%run_scoped3A_142 : memref<!tpu.dma_semaphore, #tpu.memory_space<semaphore_mem>>) {add = true}
      %dma_wait3A_149 = arith.constant 0 : i32
      %dma_wait3A_150 = tpu.memref_slice %arg8[%run_scoped3A, %dma_wait3A_149] : memref<79x128xi32, #tpu.memory_space<vmem>> -> memref<1x128xi32, #tpu.memory_space<vmem>>
      %dma_wait3A_151 = tpu.memref_squeeze %dma_wait3A_150 : memref<1x128xi32, #tpu.memory_space<vmem>> -> memref<128xi32, #tpu.memory_space<vmem>>
      %dma_wait3A_152 = arith.constant 0 : i32
      %dma_wait3A_153 = arith.constant 0 : i32
      %dma_wait3A_154 = tpu.memref_slice %arg13[%dma_wait3A_152, %dma_wait3A_153] : memref<10112x64xf32, #tpu.memory_space<vmem_shared>> -> memref<10112x64xf32, #tpu.memory_space<vmem_shared>>
      tpu.wait_indirect_dma semaphore(%run_scoped3A_142 : memref<!tpu.dma_semaphore, #tpu.memory_space<semaphore_mem>>) src(%arg9 : memref<128x64xf32, #tpu.memory_space<vmem>>) dst(%dma_wait3A_154 : memref<10112x64xf32, #tpu.memory_space<vmem_shared>>)
      tpu.yield
    }) : () -> ()
    %dma_wait3A_55 = arith.constant 76 : i32
    %dma_wait3A_56 = arith.constant 0 : i32
    %dma_wait3A_57 = tpu.memref_slice %arg7[%dma_wait3A_55, %dma_wait3A_56] : memref<79x128xi32, #tpu.memory_space<vmem>> -> memref<1x128xi32, #tpu.memory_space<vmem>>
    %dma_wait3A_58 = tpu.memref_squeeze %dma_wait3A_57 : memref<1x128xi32, #tpu.memory_space<vmem>> -> memref<128xi32, #tpu.memory_space<vmem>>
    %dma_wait3A_59 = arith.constant 0 : i32
    %dma_wait3A_60 = arith.constant 0 : i32
    %dma_wait3A_61 = tpu.memref_slice %arg12[%dma_wait3A_59, %dma_wait3A_60] : memref<10112x64xf32, #tpu.memory_space<vmem_shared>> -> memref<10112x64xf32, #tpu.memory_space<vmem_shared>>
    tpu.wait_indirect_dma semaphore(%arg15 : memref<!tpu.dma_semaphore, #tpu.memory_space<semaphore_mem>>) src(%dma_wait3A_61 : memref<10112x64xf32, #tpu.memory_space<vmem_shared>>) dst(%arg10 : memref<128x64xf32, #tpu.memory_space<vmem>>)
    %run_scoped3A_62 = arith.constant 76 : i32
    "tpu.region"() ({
      %run_scoped3A_142 = tpu.sem_alloc : memref<!tpu.dma_semaphore, #tpu.memory_space<semaphore_mem>>
      %dma_start3A_143 = arith.constant 0 : i32
      %dma_start3A_144 = tpu.memref_slice %arg8[%run_scoped3A_62, %dma_start3A_143] : memref<79x128xi32, #tpu.memory_space<vmem>> -> memref<1x128xi32, #tpu.memory_space<vmem>>
      %dma_start3A_145 = tpu.memref_squeeze %dma_start3A_144 : memref<1x128xi32, #tpu.memory_space<vmem>> -> memref<128xi32, #tpu.memory_space<vmem>>
      %dma_start3A_146 = arith.constant 0 : i32
      %dma_start3A_147 = arith.constant 0 : i32
      %dma_start3A_148 = tpu.memref_slice %arg13[%dma_start3A_146, %dma_start3A_147] : memref<10112x64xf32, #tpu.memory_space<vmem_shared>> -> memref<10112x64xf32, #tpu.memory_space<vmem_shared>>
      tpu.enqueue_indirect_dma source(%arg10 : memref<128x64xf32, #tpu.memory_space<vmem>>) target(%dma_start3A_148 : memref<10112x64xf32, #tpu.memory_space<vmem_shared>>) offsets(%dma_start3A_145 : memref<128xi32, #tpu.memory_space<vmem>>) semaphore(%run_scoped3A_142 : memref<!tpu.dma_semaphore, #tpu.memory_space<semaphore_mem>>) {add = true}
      %dma_wait3A_149 = arith.constant 0 : i32
      %dma_wait3A_150 = tpu.memref_slice %arg8[%run_scoped3A_62, %dma_wait3A_149] : memref<79x128xi32, #tpu.memory_space<vmem>> -> memref<1x128xi32, #tpu.memory_space<vmem>>
      %dma_wait3A_151 = tpu.memref_squeeze %dma_wait3A_150 : memref<1x128xi32, #tpu.memory_space<vmem>> -> memref<128xi32, #tpu.memory_space<vmem>>
      %dma_wait3A_152 = arith.constant 0 : i32
      %dma_wait3A_153 = arith.constant 0 : i32
      %dma_wait3A_154 = tpu.memref_slice %arg13[%dma_wait3A_152, %dma_wait3A_153] : memref<10112x64xf32, #tpu.memory_space<vmem_shared>> -> memref<10112x64xf32, #tpu.memory_space<vmem_shared>>
      tpu.wait_indirect_dma semaphore(%run_scoped3A_142 : memref<!tpu.dma_semaphore, #tpu.memory_space<semaphore_mem>>) src(%arg10 : memref<128x64xf32, #tpu.memory_space<vmem>>) dst(%dma_wait3A_154 : memref<10112x64xf32, #tpu.memory_space<vmem_shared>>)
      tpu.yield
    }) : () -> ()
    %dma_wait3A_63 = arith.constant 77 : i32
    %dma_wait3A_64 = arith.constant 0 : i32
    %dma_wait3A_65 = tpu.memref_slice %arg7[%dma_wait3A_63, %dma_wait3A_64] : memref<79x128xi32, #tpu.memory_space<vmem>> -> memref<1x128xi32, #tpu.memory_space<vmem>>
    %dma_wait3A_66 = tpu.memref_squeeze %dma_wait3A_65 : memref<1x128xi32, #tpu.memory_space<vmem>> -> memref<128xi32, #tpu.memory_space<vmem>>
    %dma_wait3A_67 = arith.constant 0 : i32
    %dma_wait3A_68 = arith.constant 0 : i32
    %dma_wait3A_69 = tpu.memref_slice %arg12[%dma_wait3A_67, %dma_wait3A_68] : memref<10112x64xf32, #tpu.memory_space<vmem_shared>> -> memref<10112x64xf32, #tpu.memory_space<vmem_shared>>
    tpu.wait_indirect_dma semaphore(%arg16 : memref<!tpu.dma_semaphore, #tpu.memory_space<semaphore_mem>>) src(%dma_wait3A_69 : memref<10112x64xf32, #tpu.memory_space<vmem_shared>>) dst(%arg11 : memref<128x64xf32, #tpu.memory_space<vmem>>)
    %run_scoped3A_70 = arith.constant 77 : i32
    "tpu.region"() ({
      %run_scoped3A_142 = tpu.sem_alloc : memref<!tpu.dma_semaphore, #tpu.memory_space<semaphore_mem>>
      %dma_start3A_143 = arith.constant 0 : i32
      %dma_start3A_144 = tpu.memref_slice %arg8[%run_scoped3A_70, %dma_start3A_143] : memref<79x128xi32, #tpu.memory_space<vmem>> -> memref<1x128xi32, #tpu.memory_space<vmem>>
      %dma_start3A_145 = tpu.memref_squeeze %dma_start3A_144 : memref<1x128xi32, #tpu.memory_space<vmem>> -> memref<128xi32, #tpu.memory_space<vmem>>
      %dma_start3A_146 = arith.constant 0 : i32
      %dma_start3A_147 = arith.constant 0 : i32
      %dma_start3A_148 = tpu.memref_slice %arg13[%dma_start3A_146, %dma_start3A_147] : memref<10112x64xf32, #tpu.memory_space<vmem_shared>> -> memref<10112x64xf32, #tpu.memory_space<vmem_shared>>
      tpu.enqueue_indirect_dma source(%arg11 : memref<128x64xf32, #tpu.memory_space<vmem>>) target(%dma_start3A_148 : memref<10112x64xf32, #tpu.memory_space<vmem_shared>>) offsets(%dma_start3A_145 : memref<128xi32, #tpu.memory_space<vmem>>) semaphore(%run_scoped3A_142 : memref<!tpu.dma_semaphore, #tpu.memory_space<semaphore_mem>>) {add = true}
      %dma_wait3A_149 = arith.constant 0 : i32
      %dma_wait3A_150 = tpu.memref_slice %arg8[%run_scoped3A_70, %dma_wait3A_149] : memref<79x128xi32, #tpu.memory_space<vmem>> -> memref<1x128xi32, #tpu.memory_space<vmem>>
      %dma_wait3A_151 = tpu.memref_squeeze %dma_wait3A_150 : memref<1x128xi32, #tpu.memory_space<vmem>> -> memref<128xi32, #tpu.memory_space<vmem>>
      %dma_wait3A_152 = arith.constant 0 : i32
      %dma_wait3A_153 = arith.constant 0 : i32
      %dma_wait3A_154 = tpu.memref_slice %arg13[%dma_wait3A_152, %dma_wait3A_153] : memref<10112x64xf32, #tpu.memory_space<vmem_shared>> -> memref<10112x64xf32, #tpu.memory_space<vmem_shared>>
      tpu.wait_indirect_dma semaphore(%run_scoped3A_142 : memref<!tpu.dma_semaphore, #tpu.memory_space<semaphore_mem>>) src(%arg11 : memref<128x64xf32, #tpu.memory_space<vmem>>) dst(%dma_wait3A_154 : memref<10112x64xf32, #tpu.memory_space<vmem_shared>>)
      tpu.yield
    }) : () -> ()
    %mul3A_71 = arith.constant 156 : i32
    %mul3A_72 = arith.muli %arg1, %mul3A_71 : i32
    %add3A_73 = arith.constant 78 : i32
    %add3A_74 = arith.addi %mul3A_72, %add3A_73 : i32
    "tpu.region"() ({
      %run_scoped3A_142 = tpu.sem_alloc : memref<!tpu.dma_semaphore, #tpu.memory_space<semaphore_mem>>
      %dma_start3A_143 = arith.constant 0 : i32
      %dma_start3A_144 = arith.constant 0 : i32
      %dma_start3A_145 = tpu.memref_slice %arg7[%dma_start3A_143, %dma_start3A_144] : memref<79x128xi32, #tpu.memory_space<vmem>> -> memref<78x128xi32, #tpu.memory_space<vmem>>
      %dma_start3A_146 = arith.constant 0 : i32
      %dma_start3A_147 = tpu.memref_slice %arg3[%add3A_74, %dma_start3A_146] : memref<2500x128xi32, #tpu.memory_space<hbm>> -> memref<78x128xi32, #tpu.memory_space<hbm>>
      %dma_start3A_148 = arith.constant 0 : i32
      %dma_start3A_149 = arith.constant 0 : i32
      %dma_start3A_150 = tpu.memref_slice %arg7[%dma_start3A_148, %dma_start3A_149] : memref<79x128xi32, #tpu.memory_space<vmem>> -> memref<78x128xi32, #tpu.memory_space<vmem>>
      %dma_start3A_151 = arith.constant 0 : i32
      %dma_start3A_152 = tpu.memref_slice %arg3[%add3A_74, %dma_start3A_151] : memref<2500x128xi32, #tpu.memory_space<hbm>> -> memref<78x128xi32, #tpu.memory_space<hbm>>
      tpu.enqueue_dma source(%dma_start3A_152 : memref<78x128xi32, #tpu.memory_space<hbm>>) target(%dma_start3A_150 : memref<78x128xi32, #tpu.memory_space<vmem>>) target_semaphore(%run_scoped3A_142 : memref<!tpu.dma_semaphore, #tpu.memory_space<semaphore_mem>>)
      %dma_wait3A_153 = arith.constant 0 : i32
      %dma_wait3A_154 = arith.constant 0 : i32
      %dma_wait3A_155 = tpu.memref_slice %arg7[%dma_wait3A_153, %dma_wait3A_154] : memref<79x128xi32, #tpu.memory_space<vmem>> -> memref<78x128xi32, #tpu.memory_space<vmem>>
      %dma_wait3A_156 = arith.constant 0 : i32
      %dma_wait3A_157 = tpu.memref_slice %arg3[%add3A_74, %dma_wait3A_156] : memref<2500x128xi32, #tpu.memory_space<hbm>> -> memref<78x128xi32, #tpu.memory_space<hbm>>
      %dma_wait3A_158 = arith.constant 0 : i32
      %dma_wait3A_159 = arith.constant 0 : i32
      %dma_wait3A_160 = tpu.memref_slice %arg7[%dma_wait3A_158, %dma_wait3A_159] : memref<79x128xi32, #tpu.memory_space<vmem>> -> memref<78x128xi32, #tpu.memory_space<vmem>>
      %dma_wait3A_161 = arith.constant 0 : i32
      %dma_wait3A_162 = tpu.memref_slice %arg3[%add3A_74, %dma_wait3A_161] : memref<2500x128xi32, #tpu.memory_space<hbm>> -> memref<78x128xi32, #tpu.memory_space<hbm>>
      tpu.wait_dma2 semaphore(%run_scoped3A_142 : memref<!tpu.dma_semaphore, #tpu.memory_space<semaphore_mem>>) src(%dma_wait3A_162 : memref<78x128xi32, #tpu.memory_space<hbm>>) dst(%dma_wait3A_160 : memref<78x128xi32, #tpu.memory_space<vmem>>)
      tpu.yield
    }) : () -> ()
    %mul3A_75 = arith.constant 156 : i32
    %mul3A_76 = arith.muli %arg1, %mul3A_75 : i32
    %add3A_77 = arith.constant 78 : i32
    %add3A_78 = arith.addi %mul3A_76, %add3A_77 : i32
    "tpu.region"() ({
      %run_scoped3A_142 = tpu.sem_alloc : memref<!tpu.dma_semaphore, #tpu.memory_space<semaphore_mem>>
      %dma_start3A_143 = arith.constant 0 : i32
      %dma_start3A_144 = arith.constant 0 : i32
      %dma_start3A_145 = tpu.memref_slice %arg8[%dma_start3A_143, %dma_start3A_144] : memref<79x128xi32, #tpu.memory_space<vmem>> -> memref<78x128xi32, #tpu.memory_space<vmem>>
      %dma_start3A_146 = arith.constant 0 : i32
      %dma_start3A_147 = tpu.memref_slice %arg4[%add3A_78, %dma_start3A_146] : memref<2500x128xi32, #tpu.memory_space<hbm>> -> memref<78x128xi32, #tpu.memory_space<hbm>>
      %dma_start3A_148 = arith.constant 0 : i32
      %dma_start3A_149 = arith.constant 0 : i32
      %dma_start3A_150 = tpu.memref_slice %arg8[%dma_start3A_148, %dma_start3A_149] : memref<79x128xi32, #tpu.memory_space<vmem>> -> memref<78x128xi32, #tpu.memory_space<vmem>>
      %dma_start3A_151 = arith.constant 0 : i32
      %dma_start3A_152 = tpu.memref_slice %arg4[%add3A_78, %dma_start3A_151] : memref<2500x128xi32, #tpu.memory_space<hbm>> -> memref<78x128xi32, #tpu.memory_space<hbm>>
      tpu.enqueue_dma source(%dma_start3A_152 : memref<78x128xi32, #tpu.memory_space<hbm>>) target(%dma_start3A_150 : memref<78x128xi32, #tpu.memory_space<vmem>>) target_semaphore(%run_scoped3A_142 : memref<!tpu.dma_semaphore, #tpu.memory_space<semaphore_mem>>)
      %dma_wait3A_153 = arith.constant 0 : i32
      %dma_wait3A_154 = arith.constant 0 : i32
      %dma_wait3A_155 = tpu.memref_slice %arg8[%dma_wait3A_153, %dma_wait3A_154] : memref<79x128xi32, #tpu.memory_space<vmem>> -> memref<78x128xi32, #tpu.memory_space<vmem>>
      %dma_wait3A_156 = arith.constant 0 : i32
      %dma_wait3A_157 = tpu.memref_slice %arg4[%add3A_78, %dma_wait3A_156] : memref<2500x128xi32, #tpu.memory_space<hbm>> -> memref<78x128xi32, #tpu.memory_space<hbm>>
      %dma_wait3A_158 = arith.constant 0 : i32
      %dma_wait3A_159 = arith.constant 0 : i32
      %dma_wait3A_160 = tpu.memref_slice %arg8[%dma_wait3A_158, %dma_wait3A_159] : memref<79x128xi32, #tpu.memory_space<vmem>> -> memref<78x128xi32, #tpu.memory_space<vmem>>
      %dma_wait3A_161 = arith.constant 0 : i32
      %dma_wait3A_162 = tpu.memref_slice %arg4[%add3A_78, %dma_wait3A_161] : memref<2500x128xi32, #tpu.memory_space<hbm>> -> memref<78x128xi32, #tpu.memory_space<hbm>>
      tpu.wait_dma2 semaphore(%run_scoped3A_142 : memref<!tpu.dma_semaphore, #tpu.memory_space<semaphore_mem>>) src(%dma_wait3A_162 : memref<78x128xi32, #tpu.memory_space<hbm>>) dst(%dma_wait3A_160 : memref<78x128xi32, #tpu.memory_space<vmem>>)
      tpu.yield
    }) : () -> ()
    %lt3A = arith.constant 4 : i32
    %lt3A_79 = arith.cmpi slt, %arg1, %lt3A : i32
    %convert_element_type3A = arith.extui %lt3A_79 : i1 to i32
    %cond3A = arith.constant 0 : i32
    %cond3A_80 = arith.cmpi ne, %convert_element_type3A, %cond3A : i32
    scf.if %cond3A_80 {
      %add3A_142 = arith.constant 2496 : i32
      %add3A_143 = arith.addi %add3A_142, %arg1 : i32
      %run_scoped3A_144 = arith.constant 78 : i32
      "tpu.region"() ({
        %run_scoped3A_148 = tpu.sem_alloc : memref<!tpu.dma_semaphore, #tpu.memory_space<semaphore_mem>>
        %dma_start3A_149 = arith.constant 0 : i32
        %dma_start3A_150 = tpu.memref_slice %arg7[%run_scoped3A_144, %dma_start3A_149] : memref<79x128xi32, #tpu.memory_space<vmem>> -> memref<1x128xi32, #tpu.memory_space<vmem>>
        %dma_start3A_151 = tpu.memref_squeeze %dma_start3A_150 : memref<1x128xi32, #tpu.memory_space<vmem>> -> memref<128xi32, #tpu.memory_space<vmem>>
        %dma_start3A_152 = arith.constant 0 : i32
        %dma_start3A_153 = tpu.memref_slice %arg3[%add3A_143, %dma_start3A_152] : memref<2500x128xi32, #tpu.memory_space<hbm>> -> memref<1x128xi32, #tpu.memory_space<hbm>>
        %dma_start3A_154 = tpu.memref_squeeze %dma_start3A_153 : memref<1x128xi32, #tpu.memory_space<hbm>> -> memref<128xi32, #tpu.memory_space<hbm>>
        %dma_start3A_155 = arith.constant 0 : i32
        %dma_start3A_156 = tpu.memref_slice %arg7[%run_scoped3A_144, %dma_start3A_155] : memref<79x128xi32, #tpu.memory_space<vmem>> -> memref<1x128xi32, #tpu.memory_space<vmem>>
        %dma_start3A_157 = tpu.memref_squeeze %dma_start3A_156 : memref<1x128xi32, #tpu.memory_space<vmem>> -> memref<128xi32, #tpu.memory_space<vmem>>
        %dma_start3A_158 = arith.constant 0 : i32
        %dma_start3A_159 = tpu.memref_slice %arg3[%add3A_143, %dma_start3A_158] : memref<2500x128xi32, #tpu.memory_space<hbm>> -> memref<1x128xi32, #tpu.memory_space<hbm>>
        %dma_start3A_160 = tpu.memref_squeeze %dma_start3A_159 : memref<1x128xi32, #tpu.memory_space<hbm>> -> memref<128xi32, #tpu.memory_space<hbm>>
        tpu.enqueue_dma source(%dma_start3A_160 : memref<128xi32, #tpu.memory_space<hbm>>) target(%dma_start3A_157 : memref<128xi32, #tpu.memory_space<vmem>>) target_semaphore(%run_scoped3A_148 : memref<!tpu.dma_semaphore, #tpu.memory_space<semaphore_mem>>)
        %dma_wait3A_161 = arith.constant 0 : i32
        %dma_wait3A_162 = tpu.memref_slice %arg7[%run_scoped3A_144, %dma_wait3A_161] : memref<79x128xi32, #tpu.memory_space<vmem>> -> memref<1x128xi32, #tpu.memory_space<vmem>>
        %dma_wait3A_163 = tpu.memref_squeeze %dma_wait3A_162 : memref<1x128xi32, #tpu.memory_space<vmem>> -> memref<128xi32, #tpu.memory_space<vmem>>
        %dma_wait3A_164 = arith.constant 0 : i32
        %dma_wait3A_165 = tpu.memref_slice %arg3[%add3A_143, %dma_wait3A_164] : memref<2500x128xi32, #tpu.memory_space<hbm>> -> memref<1x128xi32, #tpu.memory_space<hbm>>
        %dma_wait3A_166 = tpu.memref_squeeze %dma_wait3A_165 : memref<1x128xi32, #tpu.memory_space<hbm>> -> memref<128xi32, #tpu.memory_space<hbm>>
        %dma_wait3A_167 = arith.constant 0 : i32
        %dma_wait3A_168 = tpu.memref_slice %arg7[%run_scoped3A_144, %dma_wait3A_167] : memref<79x128xi32, #tpu.memory_space<vmem>> -> memref<1x128xi32, #tpu.memory_space<vmem>>
        %dma_wait3A_169 = tpu.memref_squeeze %dma_wait3A_168 : memref<1x128xi32, #tpu.memory_space<vmem>> -> memref<128xi32, #tpu.memory_space<vmem>>
        %dma_wait3A_170 = arith.constant 0 : i32
        %dma_wait3A_171 = tpu.memref_slice %arg3[%add3A_143, %dma_wait3A_170] : memref<2500x128xi32, #tpu.memory_space<hbm>> -> memref<1x128xi32, #tpu.memory_space<hbm>>
        %dma_wait3A_172 = tpu.memref_squeeze %dma_wait3A_171 : memref<1x128xi32, #tpu.memory_space<hbm>> -> memref<128xi32, #tpu.memory_space<hbm>>
        tpu.wait_dma2 semaphore(%run_scoped3A_148 : memref<!tpu.dma_semaphore, #tpu.memory_space<semaphore_mem>>) src(%dma_wait3A_172 : memref<128xi32, #tpu.memory_space<hbm>>) dst(%dma_wait3A_169 : memref<128xi32, #tpu.memory_space<vmem>>)
        tpu.yield
      }) : () -> ()
      %add3A_145 = arith.constant 2496 : i32
      %add3A_146 = arith.addi %add3A_145, %arg1 : i32
      %run_scoped3A_147 = arith.constant 78 : i32
      "tpu.region"() ({
        %run_scoped3A_148 = tpu.sem_alloc : memref<!tpu.dma_semaphore, #tpu.memory_space<semaphore_mem>>
        %dma_start3A_149 = arith.constant 0 : i32
        %dma_start3A_150 = tpu.memref_slice %arg8[%run_scoped3A_147, %dma_start3A_149] : memref<79x128xi32, #tpu.memory_space<vmem>> -> memref<1x128xi32, #tpu.memory_space<vmem>>
        %dma_start3A_151 = tpu.memref_squeeze %dma_start3A_150 : memref<1x128xi32, #tpu.memory_space<vmem>> -> memref<128xi32, #tpu.memory_space<vmem>>
        %dma_start3A_152 = arith.constant 0 : i32
        %dma_start3A_153 = tpu.memref_slice %arg4[%add3A_146, %dma_start3A_152] : memref<2500x128xi32, #tpu.memory_space<hbm>> -> memref<1x128xi32, #tpu.memory_space<hbm>>
        %dma_start3A_154 = tpu.memref_squeeze %dma_start3A_153 : memref<1x128xi32, #tpu.memory_space<hbm>> -> memref<128xi32, #tpu.memory_space<hbm>>
        %dma_start3A_155 = arith.constant 0 : i32
        %dma_start3A_156 = tpu.memref_slice %arg8[%run_scoped3A_147, %dma_start3A_155] : memref<79x128xi32, #tpu.memory_space<vmem>> -> memref<1x128xi32, #tpu.memory_space<vmem>>
        %dma_start3A_157 = tpu.memref_squeeze %dma_start3A_156 : memref<1x128xi32, #tpu.memory_space<vmem>> -> memref<128xi32, #tpu.memory_space<vmem>>
        %dma_start3A_158 = arith.constant 0 : i32
        %dma_start3A_159 = tpu.memref_slice %arg4[%add3A_146, %dma_start3A_158] : memref<2500x128xi32, #tpu.memory_space<hbm>> -> memref<1x128xi32, #tpu.memory_space<hbm>>
        %dma_start3A_160 = tpu.memref_squeeze %dma_start3A_159 : memref<1x128xi32, #tpu.memory_space<hbm>> -> memref<128xi32, #tpu.memory_space<hbm>>
        tpu.enqueue_dma source(%dma_start3A_160 : memref<128xi32, #tpu.memory_space<hbm>>) target(%dma_start3A_157 : memref<128xi32, #tpu.memory_space<vmem>>) target_semaphore(%run_scoped3A_148 : memref<!tpu.dma_semaphore, #tpu.memory_space<semaphore_mem>>)
        %dma_wait3A_161 = arith.constant 0 : i32
        %dma_wait3A_162 = tpu.memref_slice %arg8[%run_scoped3A_147, %dma_wait3A_161] : memref<79x128xi32, #tpu.memory_space<vmem>> -> memref<1x128xi32, #tpu.memory_space<vmem>>
        %dma_wait3A_163 = tpu.memref_squeeze %dma_wait3A_162 : memref<1x128xi32, #tpu.memory_space<vmem>> -> memref<128xi32, #tpu.memory_space<vmem>>
        %dma_wait3A_164 = arith.constant 0 : i32
        %dma_wait3A_165 = tpu.memref_slice %arg4[%add3A_146, %dma_wait3A_164] : memref<2500x128xi32, #tpu.memory_space<hbm>> -> memref<1x128xi32, #tpu.memory_space<hbm>>
        %dma_wait3A_166 = tpu.memref_squeeze %dma_wait3A_165 : memref<1x128xi32, #tpu.memory_space<hbm>> -> memref<128xi32, #tpu.memory_space<hbm>>
        %dma_wait3A_167 = arith.constant 0 : i32
        %dma_wait3A_168 = tpu.memref_slice %arg8[%run_scoped3A_147, %dma_wait3A_167] : memref<79x128xi32, #tpu.memory_space<vmem>> -> memref<1x128xi32, #tpu.memory_space<vmem>>
        %dma_wait3A_169 = tpu.memref_squeeze %dma_wait3A_168 : memref<1x128xi32, #tpu.memory_space<vmem>> -> memref<128xi32, #tpu.memory_space<vmem>>
        %dma_wait3A_170 = arith.constant 0 : i32
        %dma_wait3A_171 = tpu.memref_slice %arg4[%add3A_146, %dma_wait3A_170] : memref<2500x128xi32, #tpu.memory_space<hbm>> -> memref<1x128xi32, #tpu.memory_space<hbm>>
        %dma_wait3A_172 = tpu.memref_squeeze %dma_wait3A_171 : memref<1x128xi32, #tpu.memory_space<hbm>> -> memref<128xi32, #tpu.memory_space<hbm>>
        tpu.wait_dma2 semaphore(%run_scoped3A_148 : memref<!tpu.dma_semaphore, #tpu.memory_space<semaphore_mem>>) src(%dma_wait3A_172 : memref<128xi32, #tpu.memory_space<hbm>>) dst(%dma_wait3A_169 : memref<128xi32, #tpu.memory_space<vmem>>)
        tpu.yield
      }) : () -> ()
    } else {
    }
    %dma_start3A_81 = arith.constant 0 : i32
    %dma_start3A_82 = arith.constant 0 : i32
    %dma_start3A_83 = tpu.memref_slice %arg7[%dma_start3A_81, %dma_start3A_82] : memref<79x128xi32, #tpu.memory_space<vmem>> -> memref<1x128xi32, #tpu.memory_space<vmem>>
    %dma_start3A_84 = tpu.memref_squeeze %dma_start3A_83 : memref<1x128xi32, #tpu.memory_space<vmem>> -> memref<128xi32, #tpu.memory_space<vmem>>
    %dma_start3A_85 = arith.constant 0 : i32
    %dma_start3A_86 = arith.constant 0 : i32
    %dma_start3A_87 = tpu.memref_slice %arg12[%dma_start3A_85, %dma_start3A_86] : memref<10112x64xf32, #tpu.memory_space<vmem_shared>> -> memref<10112x64xf32, #tpu.memory_space<vmem_shared>>
    tpu.enqueue_indirect_dma source(%dma_start3A_87 : memref<10112x64xf32, #tpu.memory_space<vmem_shared>>) target(%arg9 : memref<128x64xf32, #tpu.memory_space<vmem>>) offsets(%dma_start3A_84 : memref<128xi32, #tpu.memory_space<vmem>>) semaphore(%arg14 : memref<!tpu.dma_semaphore, #tpu.memory_space<semaphore_mem>>)
    %dma_start3A_88 = arith.constant 1 : i32
    %dma_start3A_89 = arith.constant 0 : i32
    %dma_start3A_90 = tpu.memref_slice %arg7[%dma_start3A_88, %dma_start3A_89] : memref<79x128xi32, #tpu.memory_space<vmem>> -> memref<1x128xi32, #tpu.memory_space<vmem>>
    %dma_start3A_91 = tpu.memref_squeeze %dma_start3A_90 : memref<1x128xi32, #tpu.memory_space<vmem>> -> memref<128xi32, #tpu.memory_space<vmem>>
    %dma_start3A_92 = arith.constant 0 : i32
    %dma_start3A_93 = arith.constant 0 : i32
    %dma_start3A_94 = tpu.memref_slice %arg12[%dma_start3A_92, %dma_start3A_93] : memref<10112x64xf32, #tpu.memory_space<vmem_shared>> -> memref<10112x64xf32, #tpu.memory_space<vmem_shared>>
    tpu.enqueue_indirect_dma source(%dma_start3A_94 : memref<10112x64xf32, #tpu.memory_space<vmem_shared>>) target(%arg10 : memref<128x64xf32, #tpu.memory_space<vmem>>) offsets(%dma_start3A_91 : memref<128xi32, #tpu.memory_space<vmem>>) semaphore(%arg15 : memref<!tpu.dma_semaphore, #tpu.memory_space<semaphore_mem>>)
    %dma_start3A_95 = arith.constant 2 : i32
    %dma_start3A_96 = arith.constant 0 : i32
    %dma_start3A_97 = tpu.memref_slice %arg7[%dma_start3A_95, %dma_start3A_96] : memref<79x128xi32, #tpu.memory_space<vmem>> -> memref<1x128xi32, #tpu.memory_space<vmem>>
    %dma_start3A_98 = tpu.memref_squeeze %dma_start3A_97 : memref<1x128xi32, #tpu.memory_space<vmem>> -> memref<128xi32, #tpu.memory_space<vmem>>
    %dma_start3A_99 = arith.constant 0 : i32
    %dma_start3A_100 = arith.constant 0 : i32
    %dma_start3A_101 = tpu.memref_slice %arg12[%dma_start3A_99, %dma_start3A_100] : memref<10112x64xf32, #tpu.memory_space<vmem_shared>> -> memref<10112x64xf32, #tpu.memory_space<vmem_shared>>
    tpu.enqueue_indirect_dma source(%dma_start3A_101 : memref<10112x64xf32, #tpu.memory_space<vmem_shared>>) target(%arg11 : memref<128x64xf32, #tpu.memory_space<vmem>>) offsets(%dma_start3A_98 : memref<128xi32, #tpu.memory_space<vmem>>) semaphore(%arg16 : memref<!tpu.dma_semaphore, #tpu.memory_space<semaphore_mem>>)
    %scan3A_102 = arith.constant 0 : i32
    %scan3A_103 = arith.constant 0 : i32
    %scan3A_104 = arith.constant 25 : i32
    %scan3A_105 = arith.addi %scan3A_103, %scan3A_104 : i32
    %scan3A_106 = arith.constant 1 : i32
    scf.for %scan3A_142 = %scan3A_103 to %scan3A_105 step %scan3A_106  : i32 {
      %mul3A_143 = arith.constant 3 : i32
      %mul3A_144 = arith.muli %mul3A_143, %scan3A_142 : i32
      %add3A_145 = arith.constant 0 : i32
      %add3A_146 = arith.addi %mul3A_144, %add3A_145 : i32
      %dma_wait3A_147 = arith.constant 0 : i32
      %dma_wait3A_148 = tpu.memref_slice %arg7[%add3A_146, %dma_wait3A_147] : memref<79x128xi32, #tpu.memory_space<vmem>> -> memref<1x128xi32, #tpu.memory_space<vmem>>
      %dma_wait3A_149 = tpu.memref_squeeze %dma_wait3A_148 : memref<1x128xi32, #tpu.memory_space<vmem>> -> memref<128xi32, #tpu.memory_space<vmem>>
      %dma_wait3A_150 = arith.constant 0 : i32
      %dma_wait3A_151 = arith.constant 0 : i32
      %dma_wait3A_152 = tpu.memref_slice %arg12[%dma_wait3A_150, %dma_wait3A_151] : memref<10112x64xf32, #tpu.memory_space<vmem_shared>> -> memref<10112x64xf32, #tpu.memory_space<vmem_shared>>
      tpu.wait_indirect_dma semaphore(%arg14 : memref<!tpu.dma_semaphore, #tpu.memory_space<semaphore_mem>>) src(%dma_wait3A_152 : memref<10112x64xf32, #tpu.memory_space<vmem_shared>>) dst(%arg9 : memref<128x64xf32, #tpu.memory_space<vmem>>)
      "tpu.region"() ({
        %run_scoped3A_199 = tpu.sem_alloc : memref<!tpu.dma_semaphore, #tpu.memory_space<semaphore_mem>>
        %dma_start3A_200 = arith.constant 0 : i32
        %dma_start3A_201 = tpu.memref_slice %arg8[%add3A_146, %dma_start3A_200] : memref<79x128xi32, #tpu.memory_space<vmem>> -> memref<1x128xi32, #tpu.memory_space<vmem>>
        %dma_start3A_202 = tpu.memref_squeeze %dma_start3A_201 : memref<1x128xi32, #tpu.memory_space<vmem>> -> memref<128xi32, #tpu.memory_space<vmem>>
        %dma_start3A_203 = arith.constant 0 : i32
        %dma_start3A_204 = arith.constant 0 : i32
        %dma_start3A_205 = tpu.memref_slice %arg13[%dma_start3A_203, %dma_start3A_204] : memref<10112x64xf32, #tpu.memory_space<vmem_shared>> -> memref<10112x64xf32, #tpu.memory_space<vmem_shared>>
        tpu.enqueue_indirect_dma source(%arg9 : memref<128x64xf32, #tpu.memory_space<vmem>>) target(%dma_start3A_205 : memref<10112x64xf32, #tpu.memory_space<vmem_shared>>) offsets(%dma_start3A_202 : memref<128xi32, #tpu.memory_space<vmem>>) semaphore(%run_scoped3A_199 : memref<!tpu.dma_semaphore, #tpu.memory_space<semaphore_mem>>) {add = true}
        %dma_wait3A_206 = arith.constant 0 : i32
        %dma_wait3A_207 = tpu.memref_slice %arg8[%add3A_146, %dma_wait3A_206] : memref<79x128xi32, #tpu.memory_space<vmem>> -> memref<1x128xi32, #tpu.memory_space<vmem>>
        %dma_wait3A_208 = tpu.memref_squeeze %dma_wait3A_207 : memref<1x128xi32, #tpu.memory_space<vmem>> -> memref<128xi32, #tpu.memory_space<vmem>>
        %dma_wait3A_209 = arith.constant 0 : i32
        %dma_wait3A_210 = arith.constant 0 : i32
        %dma_wait3A_211 = tpu.memref_slice %arg13[%dma_wait3A_209, %dma_wait3A_210] : memref<10112x64xf32, #tpu.memory_space<vmem_shared>> -> memref<10112x64xf32, #tpu.memory_space<vmem_shared>>
        tpu.wait_indirect_dma semaphore(%run_scoped3A_199 : memref<!tpu.dma_semaphore, #tpu.memory_space<semaphore_mem>>) src(%arg9 : memref<128x64xf32, #tpu.memory_space<vmem>>) dst(%dma_wait3A_211 : memref<10112x64xf32, #tpu.memory_space<vmem_shared>>)
        tpu.yield
      }) : () -> ()
      %add3A_153 = arith.constant 0 : i32
      %add3A_154 = arith.addi %mul3A_144, %add3A_153 : i32
      %add3A_155 = arith.constant 3 : i32
      %add3A_156 = arith.addi %add3A_154, %add3A_155 : i32
      %dma_start3A_157 = arith.constant 0 : i32
      %dma_start3A_158 = tpu.memref_slice %arg7[%add3A_156, %dma_start3A_157] : memref<79x128xi32, #tpu.memory_space<vmem>> -> memref<1x128xi32, #tpu.memory_space<vmem>>
      %dma_start3A_159 = tpu.memref_squeeze %dma_start3A_158 : memref<1x128xi32, #tpu.memory_space<vmem>> -> memref<128xi32, #tpu.memory_space<vmem>>
      %dma_start3A_160 = arith.constant 0 : i32
      %dma_start3A_161 = arith.constant 0 : i32
      %dma_start3A_162 = tpu.memref_slice %arg12[%dma_start3A_160, %dma_start3A_161] : memref<10112x64xf32, #tpu.memory_space<vmem_shared>> -> memref<10112x64xf32, #tpu.memory_space<vmem_shared>>
      tpu.enqueue_indirect_dma source(%dma_start3A_162 : memref<10112x64xf32, #tpu.memory_space<vmem_shared>>) target(%arg9 : memref<128x64xf32, #tpu.memory_space<vmem>>) offsets(%dma_start3A_159 : memref<128xi32, #tpu.memory_space<vmem>>) semaphore(%arg14 : memref<!tpu.dma_semaphore, #tpu.memory_space<semaphore_mem>>)
      %add3A_163 = arith.constant 1 : i32
      %add3A_164 = arith.addi %mul3A_144, %add3A_163 : i32
      %dma_wait3A_165 = arith.constant 0 : i32
      %dma_wait3A_166 = tpu.memref_slice %arg7[%add3A_164, %dma_wait3A_165] : memref<79x128xi32, #tpu.memory_space<vmem>> -> memref<1x128xi32, #tpu.memory_space<vmem>>
      %dma_wait3A_167 = tpu.memref_squeeze %dma_wait3A_166 : memref<1x128xi32, #tpu.memory_space<vmem>> -> memref<128xi32, #tpu.memory_space<vmem>>
      %dma_wait3A_168 = arith.constant 0 : i32
      %dma_wait3A_169 = arith.constant 0 : i32
      %dma_wait3A_170 = tpu.memref_slice %arg12[%dma_wait3A_168, %dma_wait3A_169] : memref<10112x64xf32, #tpu.memory_space<vmem_shared>> -> memref<10112x64xf32, #tpu.memory_space<vmem_shared>>
      tpu.wait_indirect_dma semaphore(%arg15 : memref<!tpu.dma_semaphore, #tpu.memory_space<semaphore_mem>>) src(%dma_wait3A_170 : memref<10112x64xf32, #tpu.memory_space<vmem_shared>>) dst(%arg10 : memref<128x64xf32, #tpu.memory_space<vmem>>)
      "tpu.region"() ({
        %run_scoped3A_199 = tpu.sem_alloc : memref<!tpu.dma_semaphore, #tpu.memory_space<semaphore_mem>>
        %dma_start3A_200 = arith.constant 0 : i32
        %dma_start3A_201 = tpu.memref_slice %arg8[%add3A_164, %dma_start3A_200] : memref<79x128xi32, #tpu.memory_space<vmem>> -> memref<1x128xi32, #tpu.memory_space<vmem>>
        %dma_start3A_202 = tpu.memref_squeeze %dma_start3A_201 : memref<1x128xi32, #tpu.memory_space<vmem>> -> memref<128xi32, #tpu.memory_space<vmem>>
        %dma_start3A_203 = arith.constant 0 : i32
        %dma_start3A_204 = arith.constant 0 : i32
        %dma_start3A_205 = tpu.memref_slice %arg13[%dma_start3A_203, %dma_start3A_204] : memref<10112x64xf32, #tpu.memory_space<vmem_shared>> -> memref<10112x64xf32, #tpu.memory_space<vmem_shared>>
        tpu.enqueue_indirect_dma source(%arg10 : memref<128x64xf32, #tpu.memory_space<vmem>>) target(%dma_start3A_205 : memref<10112x64xf32, #tpu.memory_space<vmem_shared>>) offsets(%dma_start3A_202 : memref<128xi32, #tpu.memory_space<vmem>>) semaphore(%run_scoped3A_199 : memref<!tpu.dma_semaphore, #tpu.memory_space<semaphore_mem>>) {add = true}
        %dma_wait3A_206 = arith.constant 0 : i32
        %dma_wait3A_207 = tpu.memref_slice %arg8[%add3A_164, %dma_wait3A_206] : memref<79x128xi32, #tpu.memory_space<vmem>> -> memref<1x128xi32, #tpu.memory_space<vmem>>
        %dma_wait3A_208 = tpu.memref_squeeze %dma_wait3A_207 : memref<1x128xi32, #tpu.memory_space<vmem>> -> memref<128xi32, #tpu.memory_space<vmem>>
        %dma_wait3A_209 = arith.constant 0 : i32
        %dma_wait3A_210 = arith.constant 0 : i32
        %dma_wait3A_211 = tpu.memref_slice %arg13[%dma_wait3A_209, %dma_wait3A_210] : memref<10112x64xf32, #tpu.memory_space<vmem_shared>> -> memref<10112x64xf32, #tpu.memory_space<vmem_shared>>
        tpu.wait_indirect_dma semaphore(%run_scoped3A_199 : memref<!tpu.dma_semaphore, #tpu.memory_space<semaphore_mem>>) src(%arg10 : memref<128x64xf32, #tpu.memory_space<vmem>>) dst(%dma_wait3A_211 : memref<10112x64xf32, #tpu.memory_space<vmem_shared>>)
        tpu.yield
      }) : () -> ()
      %add3A_171 = arith.constant 1 : i32
      %add3A_172 = arith.addi %mul3A_144, %add3A_171 : i32
      %add3A_173 = arith.constant 3 : i32
      %add3A_174 = arith.addi %add3A_172, %add3A_173 : i32
      %dma_start3A_175 = arith.constant 0 : i32
      %dma_start3A_176 = tpu.memref_slice %arg7[%add3A_174, %dma_start3A_175] : memref<79x128xi32, #tpu.memory_space<vmem>> -> memref<1x128xi32, #tpu.memory_space<vmem>>
      %dma_start3A_177 = tpu.memref_squeeze %dma_start3A_176 : memref<1x128xi32, #tpu.memory_space<vmem>> -> memref<128xi32, #tpu.memory_space<vmem>>
      %dma_start3A_178 = arith.constant 0 : i32
      %dma_start3A_179 = arith.constant 0 : i32
      %dma_start3A_180 = tpu.memref_slice %arg12[%dma_start3A_178, %dma_start3A_179] : memref<10112x64xf32, #tpu.memory_space<vmem_shared>> -> memref<10112x64xf32, #tpu.memory_space<vmem_shared>>
      tpu.enqueue_indirect_dma source(%dma_start3A_180 : memref<10112x64xf32, #tpu.memory_space<vmem_shared>>) target(%arg10 : memref<128x64xf32, #tpu.memory_space<vmem>>) offsets(%dma_start3A_177 : memref<128xi32, #tpu.memory_space<vmem>>) semaphore(%arg15 : memref<!tpu.dma_semaphore, #tpu.memory_space<semaphore_mem>>)
      %add3A_181 = arith.constant 2 : i32
      %add3A_182 = arith.addi %mul3A_144, %add3A_181 : i32
      %dma_wait3A_183 = arith.constant 0 : i32
      %dma_wait3A_184 = tpu.memref_slice %arg7[%add3A_182, %dma_wait3A_183] : memref<79x128xi32, #tpu.memory_space<vmem>> -> memref<1x128xi32, #tpu.memory_space<vmem>>
      %dma_wait3A_185 = tpu.memref_squeeze %dma_wait3A_184 : memref<1x128xi32, #tpu.memory_space<vmem>> -> memref<128xi32, #tpu.memory_space<vmem>>
      %dma_wait3A_186 = arith.constant 0 : i32
      %dma_wait3A_187 = arith.constant 0 : i32
      %dma_wait3A_188 = tpu.memref_slice %arg12[%dma_wait3A_186, %dma_wait3A_187] : memref<10112x64xf32, #tpu.memory_space<vmem_shared>> -> memref<10112x64xf32, #tpu.memory_space<vmem_shared>>
      tpu.wait_indirect_dma semaphore(%arg16 : memref<!tpu.dma_semaphore, #tpu.memory_space<semaphore_mem>>) src(%dma_wait3A_188 : memref<10112x64xf32, #tpu.memory_space<vmem_shared>>) dst(%arg11 : memref<128x64xf32, #tpu.memory_space<vmem>>)
      "tpu.region"() ({
        %run_scoped3A_199 = tpu.sem_alloc : memref<!tpu.dma_semaphore, #tpu.memory_space<semaphore_mem>>
        %dma_start3A_200 = arith.constant 0 : i32
        %dma_start3A_201 = tpu.memref_slice %arg8[%add3A_182, %dma_start3A_200] : memref<79x128xi32, #tpu.memory_space<vmem>> -> memref<1x128xi32, #tpu.memory_space<vmem>>
        %dma_start3A_202 = tpu.memref_squeeze %dma_start3A_201 : memref<1x128xi32, #tpu.memory_space<vmem>> -> memref<128xi32, #tpu.memory_space<vmem>>
        %dma_start3A_203 = arith.constant 0 : i32
        %dma_start3A_204 = arith.constant 0 : i32
        %dma_start3A_205 = tpu.memref_slice %arg13[%dma_start3A_203, %dma_start3A_204] : memref<10112x64xf32, #tpu.memory_space<vmem_shared>> -> memref<10112x64xf32, #tpu.memory_space<vmem_shared>>
        tpu.enqueue_indirect_dma source(%arg11 : memref<128x64xf32, #tpu.memory_space<vmem>>) target(%dma_start3A_205 : memref<10112x64xf32, #tpu.memory_space<vmem_shared>>) offsets(%dma_start3A_202 : memref<128xi32, #tpu.memory_space<vmem>>) semaphore(%run_scoped3A_199 : memref<!tpu.dma_semaphore, #tpu.memory_space<semaphore_mem>>) {add = true}
        %dma_wait3A_206 = arith.constant 0 : i32
        %dma_wait3A_207 = tpu.memref_slice %arg8[%add3A_182, %dma_wait3A_206] : memref<79x128xi32, #tpu.memory_space<vmem>> -> memref<1x128xi32, #tpu.memory_space<vmem>>
        %dma_wait3A_208 = tpu.memref_squeeze %dma_wait3A_207 : memref<1x128xi32, #tpu.memory_space<vmem>> -> memref<128xi32, #tpu.memory_space<vmem>>
        %dma_wait3A_209 = arith.constant 0 : i32
        %dma_wait3A_210 = arith.constant 0 : i32
        %dma_wait3A_211 = tpu.memref_slice %arg13[%dma_wait3A_209, %dma_wait3A_210] : memref<10112x64xf32, #tpu.memory_space<vmem_shared>> -> memref<10112x64xf32, #tpu.memory_space<vmem_shared>>
        tpu.wait_indirect_dma semaphore(%run_scoped3A_199 : memref<!tpu.dma_semaphore, #tpu.memory_space<semaphore_mem>>) src(%arg11 : memref<128x64xf32, #tpu.memory_space<vmem>>) dst(%dma_wait3A_211 : memref<10112x64xf32, #tpu.memory_space<vmem_shared>>)
        tpu.yield
      }) : () -> ()
      %add3A_189 = arith.constant 2 : i32
      %add3A_190 = arith.addi %mul3A_144, %add3A_189 : i32
      %add3A_191 = arith.constant 3 : i32
      %add3A_192 = arith.addi %add3A_190, %add3A_191 : i32
      %dma_start3A_193 = arith.constant 0 : i32
      %dma_start3A_194 = tpu.memref_slice %arg7[%add3A_192, %dma_start3A_193] : memref<79x128xi32, #tpu.memory_space<vmem>> -> memref<1x128xi32, #tpu.memory_space<vmem>>
      %dma_start3A_195 = tpu.memref_squeeze %dma_start3A_194 : memref<1x128xi32, #tpu.memory_space<vmem>> -> memref<128xi32, #tpu.memory_space<vmem>>
      %dma_start3A_196 = arith.constant 0 : i32
      %dma_start3A_197 = arith.constant 0 : i32
      %dma_start3A_198 = tpu.memref_slice %arg12[%dma_start3A_196, %dma_start3A_197] : memref<10112x64xf32, #tpu.memory_space<vmem_shared>> -> memref<10112x64xf32, #tpu.memory_space<vmem_shared>>
      tpu.enqueue_indirect_dma source(%dma_start3A_198 : memref<10112x64xf32, #tpu.memory_space<vmem_shared>>) target(%arg11 : memref<128x64xf32, #tpu.memory_space<vmem>>) offsets(%dma_start3A_195 : memref<128xi32, #tpu.memory_space<vmem>>) semaphore(%arg16 : memref<!tpu.dma_semaphore, #tpu.memory_space<semaphore_mem>>)
    }
    %scan3A_107 = arith.constant 25 : i32
    %dma_wait3A_108 = arith.constant 75 : i32
    %dma_wait3A_109 = arith.constant 0 : i32
    %dma_wait3A_110 = tpu.memref_slice %arg7[%dma_wait3A_108, %dma_wait3A_109] : memref<79x128xi32, #tpu.memory_space<vmem>> -> memref<1x128xi32, #tpu.memory_space<vmem>>
    %dma_wait3A_111 = tpu.memref_squeeze %dma_wait3A_110 : memref<1x128xi32, #tpu.memory_space<vmem>> -> memref<128xi32, #tpu.memory_space<vmem>>
    %dma_wait3A_112 = arith.constant 0 : i32
    %dma_wait3A_113 = arith.constant 0 : i32
    %dma_wait3A_114 = tpu.memref_slice %arg12[%dma_wait3A_112, %dma_wait3A_113] : memref<10112x64xf32, #tpu.memory_space<vmem_shared>> -> memref<10112x64xf32, #tpu.memory_space<vmem_shared>>
    tpu.wait_indirect_dma semaphore(%arg14 : memref<!tpu.dma_semaphore, #tpu.memory_space<semaphore_mem>>) src(%dma_wait3A_114 : memref<10112x64xf32, #tpu.memory_space<vmem_shared>>) dst(%arg9 : memref<128x64xf32, #tpu.memory_space<vmem>>)
    %run_scoped3A_115 = arith.constant 75 : i32
    "tpu.region"() ({
      %run_scoped3A_142 = tpu.sem_alloc : memref<!tpu.dma_semaphore, #tpu.memory_space<semaphore_mem>>
      %dma_start3A_143 = arith.constant 0 : i32
      %dma_start3A_144 = tpu.memref_slice %arg8[%run_scoped3A_115, %dma_start3A_143] : memref<79x128xi32, #tpu.memory_space<vmem>> -> memref<1x128xi32, #tpu.memory_space<vmem>>
      %dma_start3A_145 = tpu.memref_squeeze %dma_start3A_144 : memref<1x128xi32, #tpu.memory_space<vmem>> -> memref<128xi32, #tpu.memory_space<vmem>>
      %dma_start3A_146 = arith.constant 0 : i32
      %dma_start3A_147 = arith.constant 0 : i32
      %dma_start3A_148 = tpu.memref_slice %arg13[%dma_start3A_146, %dma_start3A_147] : memref<10112x64xf32, #tpu.memory_space<vmem_shared>> -> memref<10112x64xf32, #tpu.memory_space<vmem_shared>>
      tpu.enqueue_indirect_dma source(%arg9 : memref<128x64xf32, #tpu.memory_space<vmem>>) target(%dma_start3A_148 : memref<10112x64xf32, #tpu.memory_space<vmem_shared>>) offsets(%dma_start3A_145 : memref<128xi32, #tpu.memory_space<vmem>>) semaphore(%run_scoped3A_142 : memref<!tpu.dma_semaphore, #tpu.memory_space<semaphore_mem>>) {add = true}
      %dma_wait3A_149 = arith.constant 0 : i32
      %dma_wait3A_150 = tpu.memref_slice %arg8[%run_scoped3A_115, %dma_wait3A_149] : memref<79x128xi32, #tpu.memory_space<vmem>> -> memref<1x128xi32, #tpu.memory_space<vmem>>
      %dma_wait3A_151 = tpu.memref_squeeze %dma_wait3A_150 : memref<1x128xi32, #tpu.memory_space<vmem>> -> memref<128xi32, #tpu.memory_space<vmem>>
      %dma_wait3A_152 = arith.constant 0 : i32
      %dma_wait3A_153 = arith.constant 0 : i32
      %dma_wait3A_154 = tpu.memref_slice %arg13[%dma_wait3A_152, %dma_wait3A_153] : memref<10112x64xf32, #tpu.memory_space<vmem_shared>> -> memref<10112x64xf32, #tpu.memory_space<vmem_shared>>
      tpu.wait_indirect_dma semaphore(%run_scoped3A_142 : memref<!tpu.dma_semaphore, #tpu.memory_space<semaphore_mem>>) src(%arg9 : memref<128x64xf32, #tpu.memory_space<vmem>>) dst(%dma_wait3A_154 : memref<10112x64xf32, #tpu.memory_space<vmem_shared>>)
      tpu.yield
    }) : () -> ()
    %dma_wait3A_116 = arith.constant 76 : i32
    %dma_wait3A_117 = arith.constant 0 : i32
    %dma_wait3A_118 = tpu.memref_slice %arg7[%dma_wait3A_116, %dma_wait3A_117] : memref<79x128xi32, #tpu.memory_space<vmem>> -> memref<1x128xi32, #tpu.memory_space<vmem>>
    %dma_wait3A_119 = tpu.memref_squeeze %dma_wait3A_118 : memref<1x128xi32, #tpu.memory_space<vmem>> -> memref<128xi32, #tpu.memory_space<vmem>>
    %dma_wait3A_120 = arith.constant 0 : i32
    %dma_wait3A_121 = arith.constant 0 : i32
    %dma_wait3A_122 = tpu.memref_slice %arg12[%dma_wait3A_120, %dma_wait3A_121] : memref<10112x64xf32, #tpu.memory_space<vmem_shared>> -> memref<10112x64xf32, #tpu.memory_space<vmem_shared>>
    tpu.wait_indirect_dma semaphore(%arg15 : memref<!tpu.dma_semaphore, #tpu.memory_space<semaphore_mem>>) src(%dma_wait3A_122 : memref<10112x64xf32, #tpu.memory_space<vmem_shared>>) dst(%arg10 : memref<128x64xf32, #tpu.memory_space<vmem>>)
    %run_scoped3A_123 = arith.constant 76 : i32
    "tpu.region"() ({
      %run_scoped3A_142 = tpu.sem_alloc : memref<!tpu.dma_semaphore, #tpu.memory_space<semaphore_mem>>
      %dma_start3A_143 = arith.constant 0 : i32
      %dma_start3A_144 = tpu.memref_slice %arg8[%run_scoped3A_123, %dma_start3A_143] : memref<79x128xi32, #tpu.memory_space<vmem>> -> memref<1x128xi32, #tpu.memory_space<vmem>>
      %dma_start3A_145 = tpu.memref_squeeze %dma_start3A_144 : memref<1x128xi32, #tpu.memory_space<vmem>> -> memref<128xi32, #tpu.memory_space<vmem>>
      %dma_start3A_146 = arith.constant 0 : i32
      %dma_start3A_147 = arith.constant 0 : i32
      %dma_start3A_148 = tpu.memref_slice %arg13[%dma_start3A_146, %dma_start3A_147] : memref<10112x64xf32, #tpu.memory_space<vmem_shared>> -> memref<10112x64xf32, #tpu.memory_space<vmem_shared>>
      tpu.enqueue_indirect_dma source(%arg10 : memref<128x64xf32, #tpu.memory_space<vmem>>) target(%dma_start3A_148 : memref<10112x64xf32, #tpu.memory_space<vmem_shared>>) offsets(%dma_start3A_145 : memref<128xi32, #tpu.memory_space<vmem>>) semaphore(%run_scoped3A_142 : memref<!tpu.dma_semaphore, #tpu.memory_space<semaphore_mem>>) {add = true}
      %dma_wait3A_149 = arith.constant 0 : i32
      %dma_wait3A_150 = tpu.memref_slice %arg8[%run_scoped3A_123, %dma_wait3A_149] : memref<79x128xi32, #tpu.memory_space<vmem>> -> memref<1x128xi32, #tpu.memory_space<vmem>>
      %dma_wait3A_151 = tpu.memref_squeeze %dma_wait3A_150 : memref<1x128xi32, #tpu.memory_space<vmem>> -> memref<128xi32, #tpu.memory_space<vmem>>
      %dma_wait3A_152 = arith.constant 0 : i32
      %dma_wait3A_153 = arith.constant 0 : i32
      %dma_wait3A_154 = tpu.memref_slice %arg13[%dma_wait3A_152, %dma_wait3A_153] : memref<10112x64xf32, #tpu.memory_space<vmem_shared>> -> memref<10112x64xf32, #tpu.memory_space<vmem_shared>>
      tpu.wait_indirect_dma semaphore(%run_scoped3A_142 : memref<!tpu.dma_semaphore, #tpu.memory_space<semaphore_mem>>) src(%arg10 : memref<128x64xf32, #tpu.memory_space<vmem>>) dst(%dma_wait3A_154 : memref<10112x64xf32, #tpu.memory_space<vmem_shared>>)
      tpu.yield
    }) : () -> ()
    %dma_wait3A_124 = arith.constant 77 : i32
    %dma_wait3A_125 = arith.constant 0 : i32
    %dma_wait3A_126 = tpu.memref_slice %arg7[%dma_wait3A_124, %dma_wait3A_125] : memref<79x128xi32, #tpu.memory_space<vmem>> -> memref<1x128xi32, #tpu.memory_space<vmem>>
    %dma_wait3A_127 = tpu.memref_squeeze %dma_wait3A_126 : memref<1x128xi32, #tpu.memory_space<vmem>> -> memref<128xi32, #tpu.memory_space<vmem>>
    %dma_wait3A_128 = arith.constant 0 : i32
    %dma_wait3A_129 = arith.constant 0 : i32
    %dma_wait3A_130 = tpu.memref_slice %arg12[%dma_wait3A_128, %dma_wait3A_129] : memref<10112x64xf32, #tpu.memory_space<vmem_shared>> -> memref<10112x64xf32, #tpu.memory_space<vmem_shared>>
    tpu.wait_indirect_dma semaphore(%arg16 : memref<!tpu.dma_semaphore, #tpu.memory_space<semaphore_mem>>) src(%dma_wait3A_130 : memref<10112x64xf32, #tpu.memory_space<vmem_shared>>) dst(%arg11 : memref<128x64xf32, #tpu.memory_space<vmem>>)
    %run_scoped3A_131 = arith.constant 77 : i32
    "tpu.region"() ({
      %run_scoped3A_142 = tpu.sem_alloc : memref<!tpu.dma_semaphore, #tpu.memory_space<semaphore_mem>>
      %dma_start3A_143 = arith.constant 0 : i32
      %dma_start3A_144 = tpu.memref_slice %arg8[%run_scoped3A_131, %dma_start3A_143] : memref<79x128xi32, #tpu.memory_space<vmem>> -> memref<1x128xi32, #tpu.memory_space<vmem>>
      %dma_start3A_145 = tpu.memref_squeeze %dma_start3A_144 : memref<1x128xi32, #tpu.memory_space<vmem>> -> memref<128xi32, #tpu.memory_space<vmem>>
      %dma_start3A_146 = arith.constant 0 : i32
      %dma_start3A_147 = arith.constant 0 : i32
      %dma_start3A_148 = tpu.memref_slice %arg13[%dma_start3A_146, %dma_start3A_147] : memref<10112x64xf32, #tpu.memory_space<vmem_shared>> -> memref<10112x64xf32, #tpu.memory_space<vmem_shared>>
      tpu.enqueue_indirect_dma source(%arg11 : memref<128x64xf32, #tpu.memory_space<vmem>>) target(%dma_start3A_148 : memref<10112x64xf32, #tpu.memory_space<vmem_shared>>) offsets(%dma_start3A_145 : memref<128xi32, #tpu.memory_space<vmem>>) semaphore(%run_scoped3A_142 : memref<!tpu.dma_semaphore, #tpu.memory_space<semaphore_mem>>) {add = true}
      %dma_wait3A_149 = arith.constant 0 : i32
      %dma_wait3A_150 = tpu.memref_slice %arg8[%run_scoped3A_131, %dma_wait3A_149] : memref<79x128xi32, #tpu.memory_space<vmem>> -> memref<1x128xi32, #tpu.memory_space<vmem>>
      %dma_wait3A_151 = tpu.memref_squeeze %dma_wait3A_150 : memref<1x128xi32, #tpu.memory_space<vmem>> -> memref<128xi32, #tpu.memory_space<vmem>>
      %dma_wait3A_152 = arith.constant 0 : i32
      %dma_wait3A_153 = arith.constant 0 : i32
      %dma_wait3A_154 = tpu.memref_slice %arg13[%dma_wait3A_152, %dma_wait3A_153] : memref<10112x64xf32, #tpu.memory_space<vmem_shared>> -> memref<10112x64xf32, #tpu.memory_space<vmem_shared>>
      tpu.wait_indirect_dma semaphore(%run_scoped3A_142 : memref<!tpu.dma_semaphore, #tpu.memory_space<semaphore_mem>>) src(%arg11 : memref<128x64xf32, #tpu.memory_space<vmem>>) dst(%dma_wait3A_154 : memref<10112x64xf32, #tpu.memory_space<vmem_shared>>)
      tpu.yield
    }) : () -> ()
    %lt3A_132 = arith.constant 4 : i32
    %lt3A_133 = arith.cmpi slt, %arg1, %lt3A_132 : i32
    %convert_element_type3A_134 = arith.extui %lt3A_133 : i1 to i32
    %cond3A_135 = arith.constant 0 : i32
    %cond3A_136 = arith.cmpi ne, %convert_element_type3A_134, %cond3A_135 : i32
    scf.if %cond3A_136 {
      %run_scoped3A_142 = arith.constant 78 : i32
      "tpu.region"() ({
        %run_scoped3A_144 = tpu.sem_alloc : memref<!tpu.dma_semaphore, #tpu.memory_space<semaphore_mem>>
        %dma_start3A_145 = arith.constant 0 : i32
        %dma_start3A_146 = tpu.memref_slice %arg7[%run_scoped3A_142, %dma_start3A_145] : memref<79x128xi32, #tpu.memory_space<vmem>> -> memref<1x128xi32, #tpu.memory_space<vmem>>
        %dma_start3A_147 = tpu.memref_squeeze %dma_start3A_146 : memref<1x128xi32, #tpu.memory_space<vmem>> -> memref<128xi32, #tpu.memory_space<vmem>>
        %dma_start3A_148 = arith.constant 0 : i32
        %dma_start3A_149 = arith.constant 0 : i32
        %dma_start3A_150 = tpu.memref_slice %arg12[%dma_start3A_148, %dma_start3A_149] : memref<10112x64xf32, #tpu.memory_space<vmem_shared>> -> memref<10112x64xf32, #tpu.memory_space<vmem_shared>>
        tpu.enqueue_indirect_dma source(%dma_start3A_150 : memref<10112x64xf32, #tpu.memory_space<vmem_shared>>) target(%arg9 : memref<128x64xf32, #tpu.memory_space<vmem>>) offsets(%dma_start3A_147 : memref<128xi32, #tpu.memory_space<vmem>>) semaphore(%run_scoped3A_144 : memref<!tpu.dma_semaphore, #tpu.memory_space<semaphore_mem>>)
        %dma_wait3A_151 = arith.constant 0 : i32
        %dma_wait3A_152 = tpu.memref_slice %arg7[%run_scoped3A_142, %dma_wait3A_151] : memref<79x128xi32, #tpu.memory_space<vmem>> -> memref<1x128xi32, #tpu.memory_space<vmem>>
        %dma_wait3A_153 = tpu.memref_squeeze %dma_wait3A_152 : memref<1x128xi32, #tpu.memory_space<vmem>> -> memref<128xi32, #tpu.memory_space<vmem>>
        %dma_wait3A_154 = arith.constant 0 : i32
        %dma_wait3A_155 = arith.constant 0 : i32
        %dma_wait3A_156 = tpu.memref_slice %arg12[%dma_wait3A_154, %dma_wait3A_155] : memref<10112x64xf32, #tpu.memory_space<vmem_shared>> -> memref<10112x64xf32, #tpu.memory_space<vmem_shared>>
        tpu.wait_indirect_dma semaphore(%run_scoped3A_144 : memref<!tpu.dma_semaphore, #tpu.memory_space<semaphore_mem>>) src(%dma_wait3A_156 : memref<10112x64xf32, #tpu.memory_space<vmem_shared>>) dst(%arg9 : memref<128x64xf32, #tpu.memory_space<vmem>>)
        tpu.yield
      }) : () -> ()
      %run_scoped3A_143 = arith.constant 78 : i32
      "tpu.region"() ({
        %run_scoped3A_144 = tpu.sem_alloc : memref<!tpu.dma_semaphore, #tpu.memory_space<semaphore_mem>>
        %dma_start3A_145 = arith.constant 0 : i32
        %dma_start3A_146 = tpu.memref_slice %arg8[%run_scoped3A_143, %dma_start3A_145] : memref<79x128xi32, #tpu.memory_space<vmem>> -> memref<1x128xi32, #tpu.memory_space<vmem>>
        %dma_start3A_147 = tpu.memref_squeeze %dma_start3A_146 : memref<1x128xi32, #tpu.memory_space<vmem>> -> memref<128xi32, #tpu.memory_space<vmem>>
        %dma_start3A_148 = arith.constant 0 : i32
        %dma_start3A_149 = arith.constant 0 : i32
        %dma_start3A_150 = tpu.memref_slice %arg13[%dma_start3A_148, %dma_start3A_149] : memref<10112x64xf32, #tpu.memory_space<vmem_shared>> -> memref<10112x64xf32, #tpu.memory_space<vmem_shared>>
        tpu.enqueue_indirect_dma source(%arg9 : memref<128x64xf32, #tpu.memory_space<vmem>>) target(%dma_start3A_150 : memref<10112x64xf32, #tpu.memory_space<vmem_shared>>) offsets(%dma_start3A_147 : memref<128xi32, #tpu.memory_space<vmem>>) semaphore(%run_scoped3A_144 : memref<!tpu.dma_semaphore, #tpu.memory_space<semaphore_mem>>) {add = true}
        %dma_wait3A_151 = arith.constant 0 : i32
        %dma_wait3A_152 = tpu.memref_slice %arg8[%run_scoped3A_143, %dma_wait3A_151] : memref<79x128xi32, #tpu.memory_space<vmem>> -> memref<1x128xi32, #tpu.memory_space<vmem>>
        %dma_wait3A_153 = tpu.memref_squeeze %dma_wait3A_152 : memref<1x128xi32, #tpu.memory_space<vmem>> -> memref<128xi32, #tpu.memory_space<vmem>>
        %dma_wait3A_154 = arith.constant 0 : i32
        %dma_wait3A_155 = arith.constant 0 : i32
        %dma_wait3A_156 = tpu.memref_slice %arg13[%dma_wait3A_154, %dma_wait3A_155] : memref<10112x64xf32, #tpu.memory_space<vmem_shared>> -> memref<10112x64xf32, #tpu.memory_space<vmem_shared>>
        tpu.wait_indirect_dma semaphore(%run_scoped3A_144 : memref<!tpu.dma_semaphore, #tpu.memory_space<semaphore_mem>>) src(%arg9 : memref<128x64xf32, #tpu.memory_space<vmem>>) dst(%dma_wait3A_156 : memref<10112x64xf32, #tpu.memory_space<vmem_shared>>)
        tpu.yield
      }) : () -> ()
    } else {
    }
    %barrier3A_137 = arith.constant 0 : index
    tpu.barrier barrier_id(%barrier3A_137)
    %mul3A_138 = arith.constant 632 : i32
    %mul3A_139 = arith.muli %arg1, %mul3A_138 : i32
    %mul3A_140 = arith.constant 632 : i32
    %mul3A_141 = arith.muli %arg1, %mul3A_140 : i32
    "tpu.region"() ({
      %run_scoped3A_142 = tpu.sem_alloc : memref<!tpu.dma_semaphore, #tpu.memory_space<semaphore_mem>>
      %dma_start3A_143 = arith.constant 0 : i32
      %dma_start3A_144 = arith.constant 0 : i32
      %dma_start3A_145 = tpu.memref_slice %arg6[%arg0, %dma_start3A_143, %dma_start3A_144] : memref<2x10112x64xf32, #tpu.memory_space<hbm>> -> memref<1x10112x64xf32, #tpu.memory_space<hbm>>
      %dma_start3A_146 = tpu.memref_squeeze %dma_start3A_145 : memref<1x10112x64xf32, #tpu.memory_space<hbm>> -> memref<10112x64xf32, #tpu.memory_space<hbm>>
      %dma_start3A_147 = arith.constant 0 : i32
      %dma_start3A_148 = tpu.memref_slice %dma_start3A_146[%mul3A_141, %dma_start3A_147] : memref<10112x64xf32, #tpu.memory_space<hbm>> -> memref<632x64xf32, #tpu.memory_space<hbm>>
      %dma_start3A_149 = arith.constant 0 : i32
      %dma_start3A_150 = tpu.memref_slice %arg13[%mul3A_139, %dma_start3A_149] : memref<10112x64xf32, #tpu.memory_space<vmem_shared>> -> memref<632x64xf32, #tpu.memory_space<vmem_shared>>
      tpu.enqueue_dma source(%dma_start3A_150 : memref<632x64xf32, #tpu.memory_space<vmem_shared>>) target(%dma_start3A_148 : memref<632x64xf32, #tpu.memory_space<hbm>>) target_semaphore(%run_scoped3A_142 : memref<!tpu.dma_semaphore, #tpu.memory_space<semaphore_mem>>)
      %dma_wait3A_151 = arith.constant 0 : i32
      %dma_wait3A_152 = arith.constant 0 : i32
      %dma_wait3A_153 = tpu.memref_slice %arg6[%arg0, %dma_wait3A_151, %dma_wait3A_152] : memref<2x10112x64xf32, #tpu.memory_space<hbm>> -> memref<1x10112x64xf32, #tpu.memory_space<hbm>>
      %dma_wait3A_154 = tpu.memref_squeeze %dma_wait3A_153 : memref<1x10112x64xf32, #tpu.memory_space<hbm>> -> memref<10112x64xf32, #tpu.memory_space<hbm>>
      %dma_wait3A_155 = arith.constant 0 : i32
      %dma_wait3A_156 = tpu.memref_slice %dma_wait3A_154[%mul3A_141, %dma_wait3A_155] : memref<10112x64xf32, #tpu.memory_space<hbm>> -> memref<632x64xf32, #tpu.memory_space<hbm>>
      %dma_wait3A_157 = arith.constant 0 : i32
      %dma_wait3A_158 = tpu.memref_slice %arg13[%mul3A_139, %dma_wait3A_157] : memref<10112x64xf32, #tpu.memory_space<vmem_shared>> -> memref<632x64xf32, #tpu.memory_space<vmem_shared>>
      tpu.wait_dma2 semaphore(%run_scoped3A_142 : memref<!tpu.dma_semaphore, #tpu.memory_space<semaphore_mem>>) src(%dma_wait3A_158 : memref<632x64xf32, #tpu.memory_space<vmem_shared>>) dst(%dma_wait3A_156 : memref<632x64xf32, #tpu.memory_space<hbm>>)
      tpu.yield
    }) : () -> ()
    return
  }
}

</mosaic_0001>

<sc_bundles>
// kernel: _segment_sum_sc.3.cloned.1.call-start
scs
__scs_entry_jumppad:
0x0: {  	(pc) =	sbr.rel $0x88, $3  }
0x1: {  	(tag) =	ssettag $0x0;
	lr =	simm.s32 $0x1  }
0x2: {  	[smem:$0x3F9E] =	sst lr;
	_ =	strace $0xD0000000  }
0x3: {  	_ = 	snop  }
0x4: {  	_ = 	snop  }
0x5: {  	_ = 	snop  }
0x6: {  	_ = 	snop  }
0x7: {  	_ = 	snop  }
__scs_overlays_trampoline_lowered:
0x8: {  	[smem:$0x3FAD] =	sst s0  }
0x9: {  	[smem:$0x3FAE] =	sst s1  }
0xa: {  	[smem:$0x3FAF] =	sst s2  }
0xb: {  	[smem:$0x3FB0] =	sst s3  }
0xc: {  	[smem:$0x3FB1] =	sst s4  }
0xd: {  	[smem:$0x3FB2] =	sst s5  }
0xe: {  	[smem:$0x3FB3] =	sst s6  }
0xf: {  	[smem:$0x3FB4] =	sst s7  }
0x10: {  	[smem:$0x3FB5] =	sst s8  }
0x11: {  	[smem:$0x3FB6] =	sst s9;
	s0 =	simm.s32 @!p0 $0x0  }
0x12: {  	s1 =	sld [smem:$0x3F9C];
	s0 =	simm.s32 @p0 $0x1  }
0x13: {  	[smem:$0x3FB7] =	sst s0;
	s0 =	simm.s32 @!p1 $0x0  }
0x14: {  	s2 =	sld [smem:$0x3F9B];
	s0 =	simm.s32 @p1 $0x1  }
0x15: {  	[smem:$0x3FB8] =	sst s0;
	s0 =	simm.s32 @!p2 $0x0  }
0x16: {  	s3 =	sld [smem:$0x3FDB];
	s0 =	simm.s32 @p2 $0x1  }
0x17: {  	s4 =	simm.s32 $0x1BF5;
	[smem:$0x3FBA] =	sst s0  }
0x18: {  	s0 =	sld [smem:$0x3F9D];
	_ =	swait.ge [sflag:s4], $0x0  }
0x19: {  	s7 =	sld [smem:$0x3F9E]  }
0x1a: {  	s8 =	sadd.s32 $0xFFFFE003, lr  }
0x1b: {  	s9 =	sadd.s32 $0xFFFFFEF7, lr;
	s5 =	simm.s32 $0xFFFFFFFF;
	p2 =	slt.u32 s8, $0xFFFFF086  }
0x1c: {  	p1 =	slt.u32 s9, $0xF7A;
	s5 =	simm.s32 @!p2 $0x0  }
0x1d: {  	s5 =	simm.s32 @p1 $0x1;
	p0 =	seq.s32 s7, s2  }
0x1e: {  	s7 =	smul.u32 @!p0 $0xF7A, s2;
	p2 =	seq.s32 @!p0 s5, $0x0  }
0x1f: {  	s9 =	smul.u32 $0xF7A, s1;
	s8 =	simm.s32 @!p0 $0x1BF5;
	p2 =	por !p2, p0  }
0x20: {  	[sflag:s8] =	ssyncset.s32 @!p0 $0xFFFFF086;
	s6 =	sadd.s32 @!p0 s3, s7;
	s7 =	simm.s32 @!p0 $0x108  }
0x21: {  	s3 =	sadd.s32 s3, s9;
	s6 =	sadd.s32 @!p0 $0x88, s6;
	s7 =	simm.s32 @p2 $0x1082  }
0x22: {  	[simem:s7], [sflag:s8] =	dma.local @!p0 [hbm:s6], $0xF7A  }
0x23: {  	s9 =	sor.u32 $0xD0000000, s2;
	s6 =	simm.s32 $0x108;
	_ =	swait.ge @!p0 [sflag:s8], $0x0  }
0x24: {  	s3 =	sadd.s32 $0x88, s3;
	s6 =	simm.s32 @!p1 $0x1082;
	[sflag:s4] =	ssyncset.s32 $0xFFFFF086  }
0x25: {  	[simem:s6], [sflag:s4] =	dma.local [hbm:s3], $0xF7A  }
0x26: {  	[smem:$0x3F9E] =	sst s1;
	(tag) =	ssettag s2;
	_ =	strace s9  }
0x27: {  	s1 =	sld [smem:$0x3FAE]  }
0x28: {  	s2 =	sld [smem:$0x3FAF]  }
0x29: {  	s4 =	sld [smem:$0x3FB1]  }
0x2a: {  	p0 =	seq.s32 s5, $0x0;
	s5 =	sld [smem:$0x3FB2]  }
0x2b: {  	s6 =	sld [smem:$0x3FB3]  }
0x2c: {  	s7 =	sld [smem:$0x3FB4]  }
0x2d: {  	s3 =	simm.s32 $0x108;
	s8 =	sld [smem:$0x3FB5]  }
0x2e: {  	s3 =	simm.s32 @!p0 $0x1082;
	s9 =	sld [smem:$0x3FB6]  }
0x2f: {  	lr =	sadd.s32 s0, s3;
	s0 =	sld [smem:$0x3FAD]  }
0x30: {  	s3 =	sld [smem:$0x3FB0]  }
0x31: {  	[smem:$0x3FB9] =	sst s10  }
0x32: {  	s10 =	sld [smem:$0x3FB7];
	_ =	sdelay $0x3  }
0x33: {  	p0 =	seq.s32 s10, $0x1;
	s10 =	sld [smem:$0x3FB9];
	_ =	sdelay $0x3  }
0x34: {  	[smem:$0x3FB9] =	sst s10  }
0x35: {  	s10 =	sld [smem:$0x3FB8];
	_ =	sdelay $0x3  }
0x36: {  	p1 =	seq.s32 s10, $0x1;
	s10 =	sld [smem:$0x3FB9];
	_ =	sdelay $0x3  }
0x37: {  	[smem:$0x3FB9] =	sst s10  }
0x38: {  	s10 =	sld [smem:$0x3FBA]  }
0x39: {  	_ = 	snop;
	(pc) =	sbr.ind lr, $3  }
0x3a: {  	_ = 	snop  }
0x3b: {  	_ = 	snop  }
0x3c: {  	p2 =	seq.s32 s10, $0x1;
	s10 =	sld [smem:$0x3FB9]  }
0x3d: {  	_ =	shalt  }
0x3e: {  	_ =	shalt  }
0x3f: {  	_ =	shalt  }
0x40: {  	_ =	shalt  }
0x41: {  	_ =	shalt  }
0x42: {  	_ =	shalt  }
0x43: {  	_ =	shalt  }
0x44: {  	_ =	shalt  }
0x45: {  	_ =	shalt  }
0x46: {  	_ =	shalt  }
0x47: {  	_ =	shalt  }
0x48: {  	_ =	shalt  }
0x49: {  	_ =	shalt  }
0x4a: {  	_ =	shalt  }
0x4b: {  	_ =	shalt  }
0x4c: {  	_ =	shalt  }
0x4d: {  	_ =	shalt  }
0x4e: {  	_ =	shalt  }
0x4f: {  	_ =	shalt  }
0x50: {  	_ =	shalt  }
0x51: {  	_ =	shalt  }
0x52: {  	_ =	shalt  }
0x53: {  	_ =	shalt  }
0x54: {  	_ =	shalt  }
0x55: {  	_ =	shalt  }
0x56: {  	_ =	shalt  }
0x57: {  	_ =	shalt  }
0x58: {  	_ =	shalt  }
0x59: {  	_ =	shalt  }
0x5a: {  	_ =	shalt  }
0x5b: {  	_ =	shalt  }
0x5c: {  	_ =	shalt  }
0x5d: {  	_ =	shalt  }
0x5e: {  	_ =	shalt  }
0x5f: {  	_ =	shalt  }
0x60: {  	_ =	shalt  }
0x61: {  	_ =	shalt  }
0x62: {  	_ =	shalt  }
0x63: {  	_ =	shalt  }
0x64: {  	_ =	shalt  }
0x65: {  	_ =	shalt  }
0x66: {  	_ =	shalt  }
0x67: {  	_ =	shalt  }
0x68: {  	_ =	shalt  }
0x69: {  	_ =	shalt  }
0x6a: {  	_ =	shalt  }
0x6b: {  	_ =	shalt  }
0x6c: {  	_ =	shalt  }
0x6d: {  	_ =	shalt  }
0x6e: {  	_ =	shalt  }
0x6f: {  	_ =	shalt  }
0x70: {  	_ =	shalt  }
0x71: {  	_ =	shalt  }
0x72: {  	_ =	shalt  }
0x73: {  	_ =	shalt  }
0x74: {  	_ =	shalt  }
0x75: {  	_ =	shalt  }
0x76: {  	_ =	shalt  }
0x77: {  	_ =	shalt  }
0x78: {  	_ =	shalt  }
0x79: {  	_ =	shalt  }
0x7a: {  	_ =	shalt  }
0x7b: {  	_ =	shalt  }
0x7c: {  	_ =	shalt  }
0x7d: {  	_ =	shalt  }
0x7e: {  	_ =	shalt  }
0x7f: {  	_ =	shalt  }
0x80: {  	_ =	shalt  }
0x81: {  	_ =	shalt  }
0x82: {  	_ =	shalt  }
0x83: {  	_ =	shalt  }
0x84: {  	_ =	shalt  }
0x85: {  	_ =	shalt  }
0x86: {  	_ =	shalt  }
0x87: {  	_ =	shalt  }
.Lfunc_end0:
.L_simem_size_0:
called_computation_lowered:
.L_overlay_start_0:
0x88: {  	s2 =	sld [smem:$0x3FD9]  }
0x89: {  	s3 =	sld [smem:$0x3FFE];
	_ =	sdelay $0x1  }
0x8a: {  	s1 =	srdreg.scid  }
0x8b: {  	s0 =	sand.u32 $0x1, s1  }
0x8c: {  	s17 =	sshll.u32 s0, $0xA;
	s2 =	sadd.s32 s3, s2  }
0x8d: {  	s2 =	sadd.s32 s2, s17  }
0x8e: {  	[smem:$0x3FC5] =	sst s2  }
0x8f: {  	_ = 	snop  }
0x90: {  	s2 =	sld [smem:$0x3FC9]  }
0x91: {  	s18 =	sld [smem:$0x3FC8]  }
0x92: {  	s4 =	sld [smem:$0x3FC7]  }
0x93: {  	s5 =	sld [smem:$0x3FD0];
	(tm) =	ssettm $0x1  }
0x94: {  	s6 =	sld [smem:$0x3FFB];
	_ =	sdelay $0x3  }
0x95: {  	_ =	strace s6  }
0x96: {  	s6 =	sld [smem:$0x3FFC];
	_ =	sdelay $0x3  }
0x97: {  	_ =	strace s6  }
0x98: {  	s6 =	sld [smem:$0x3FFD];
	_ =	sdelay $0x3  }
0x99: {  	_ =	strace s6  }
0x9a: {  	_ =	strace $0x8FFFFFFF  }
0x9b: {  	s19 =	sld [smem:$0x3FDB];
	_ =	sdelay $0x1  }
0x9c: {  	s7 =	simm.s32 $_scs_section_size  }
0x9d: {  	s8 =	simm.s32 $_size__tile_overlayer_lowered;
	s9 =	simm.s32 $_tile_overlayer_lowered  }
0x9e: {  	s22 =	simm.s32 $0x1BFF;
	s21 =	sshll.u32 s9, $0x1;
	s6 =	sadd.s32 s7, s19  }
0x9f: {  	s10 =	simm.s32 $0x0;
	s20 =	sshll.u32 s8, $0x1;
	s8 =	sadd.s32 s21, s6  }
0xa0: {  	[timem:s10], [sflag:s22] =	dma.local [hbm:s8], s20  }
0xa1: {  	_ =	swait.ge [sflag:s22], s20  }
0xa2: {  	s7 =	ssub.s32 $0x0, s20;
	[sflag:s22] =	ssyncset.done $0x0  }
0xa3: {  	[sflag:s22] =	ssyncadd.s32 s7;
	_ =	sdelay $0x1  }
0xa4: {  	s23 =	simm.s32 $0x1B8B  }
0xa5: {  	_ =	swait.ge [sflag:s23], $0x1  }
0xa6: {  	[sflag:s23] =	ssyncset.done $0x0  }
0xa7: {  	s25 =	simm.s32 $0x1B8E;
	s24 =	sld [smem:$0x3FFE];
	[sflag:s23] =	ssyncadd.s32 $0xFFFFFFFF  }
0xa8: {  	s26 =	simm.s32 $execute0_lowered;
	[smem:$0x3FD2] =	sst s25  }
0xa9: {  	s8 =	sshll.u32 s26, $0x1;
	_ =	strace $0x80000046;
	[dreg:$0x1] =	wrdreg $0xFFFFFFFF  }
0xaa: {  	s28 =	simm.s32 $_size_execute0_lowered;
	s6 =	sadd.s32 s6, s8;
	[dreg:$0x0] =	wrdreg $0x0  }
0xab: {  	s8 =	sshll.u32 s28, $0x1;
	[dreg:$0x2] =	wrdreg s6  }
0xac: {  	[dreg:$0x3] =	wrdreg s8  }
0xad: {  	[dreg:$0x4] =	wrdreg $0xC0  }
0xae: {  	_ =	task [dreg:s10], $0x5FFFF  }
0xaf: {  	[dreg:$0x1] =	wrdreg $0xFFFFFFFF  }
0xb0: {  	[dreg:$0x0] =	wrdreg $0x60  }
0xb1: {  	[dreg:$0x2] =	wrdreg s2  }
0xb2: {  	[dreg:$0x3] =	wrdreg s18  }
0xb3: {  	[dreg:$0x4] =	wrdreg s4  }
0xb4: {  	[dreg:$0x5] =	wrdreg s24  }
0xb5: {  	[dreg:$0x6] =	wrdreg s5  }
0xb6: {  	[dreg:$0x7] =	wrdreg $0xAF000  }
0xb7: {  	[dreg:$0x8] =	wrdreg $0x14D000  }
0xb8: {  	[dreg:$0x9] =	wrdreg $0x9  }
0xb9: {  	_ =	task.clear_ibuf [dreg:s10], $0xAFFFF;
	_ =	strace $0x90000046  }
0xba: {  	s29 =	simm.s32 $0x9;
	_ =	strace $0x80000048  }
0xbb: {  	_ =	swait.ge [sflag:s29], $0x1  }
0xbc: {  	[sflag:s29] =	ssyncadd.s32 $0xFFFFFFFF  }
0xbd: {  	_ =	strace $0x90000048  }
0xbe: {  	_ =	sfence  }
0xbf: {  	s30 =	sld [smem:$0x0];
	_ =	sdelay $0x2  }
0xc0: {  	s31 =	sshll.u32 s1, $0xD;
	s1 =	sshrl.u32 s1, $0x2  }
0xc1: {  	s3 =	sand.u32 $0x4000, s31;
	s1 =	sadd.s32 s1, s30  }
0xc2: {  	s0 =	sor.u32 s3, s0;
	s1 =	sshll.u32 s1, $0x11  }
0xc3: {  	s0 =	sor.u32 s1, s0  }
0xc4: {  	s0 =	sadd.s32 $0x8F2B, s0  }
0xc5: {  	[sflag:s0] =	ssyncadd.remote.s32 $0x1  }
0xc6: {  	_ =	sfence.sel $0xFFFF  }
0xc7: {  	[dreg:$0x0] =	wrdreg $0xFFFFFFFF;
	(pc) =	sbr.abs _section_cstart, $3  }
0xc8: {  	[dreg:$0x1] =	wrdreg $0xFFFFFFFF  }
0xc9: {  	_ =	task.clear_ibuf [dreg:s10], $0x2FFFF;
	_ =	strace $0x9FFFFFFF  }
0xca: {  	(tm) =	ssettm $0x7FFFFFFF  }
0xcb: {  	_ =	shalt  }
tec
execute0_lowered:
.L_overlay_start_1:
0x0: {  	(tag) =	ssettag $0x1  }
0x1: {  	s0 =	rddreg [dreg:$0x0]  }
0x2: {  	s3 =	rddreg [dreg:$0x1]  }
0x3: {  	s5 =	rddreg [dreg:$0x2]  }
0x4: {  	s6 =	rddreg [dreg:$0x3]  }
0x5: {  	s7 =	rddreg [dreg:$0x4]  }
0x6: {  	s1 =	rddreg [dreg:$0x5]  }
0x7: {  	s2 =	rddreg [dreg:$0x6];
	s4 =	simm.s32 $0x0;
	s18 =	stileid.u32  }
0x8: {  	s8 =	srdreg.scid;
	s28 =	simm.s32 $0x6F00;
	s10 =	smul.u32 $0x13880, s18  }
0x9: {  	s29 =	simm.s32 $0x100;
	s30 =	simm.s32 $0x8F00;
	s11 =	smul.u32 $0x27100, s18  }
0xa: {  	s31 =	simm.s32 $0x2;
	[smem:$0x7FF] =	sst s4;
	s16 =	smul.u32 $0x9E00, s18  }
0xb: {  	s9 =	sand.u32 $0x1, s8;
	s6 =	sadd.s32 $0x400, s6;
	s14 =	smul.u32 $0x9C0, s18  }
0xc: {  	s20 =	sshll.u32 s18, $0x6;
	p0 =	sgt.u32 s18, $0x3;
	_ =	strace $0x80000047  }
0xd: {  	s8 =	ssub.s32 $0x2, s9;
	[dreg:$0x8] =	wrdreg s6;
	s12 =	sshll.u32 s9, $0x6  }
0xe: {  	[dreg:$0x9] =	wrdreg s20;
	s9 =	smul.u32 $0x13C00, s9;
	s26 =	sshrl.u32 s8, $0x1  }
0xf: {  	s6 =	sor.u32 s12, s10;
	s13 =	sshrl.u32 s11, $0x2;
	s12 =	smul.u32 $0x4E00, s18  }
0x10: {  	s21 =	sadd.s32 s16, s2;
	s22 =	sadd.s32 s3, s14;
	s24 =	sadd.s32 s5, s14  }
0x11: {  	s15 =	ssub.s32 s8, s26;
	s19 =	sshrl.u32 s6, $0x3;
	[dreg:$0xb] =	wrdreg s22  }
0x12: {  	s17 =	sadd.s32 s13, s1;
	s8 =	sor.u32 $0x1C04, s20;
	[dreg:$0xc] =	wrdreg s24  }
0x13: {  	s13 =	sshll.u32 s18, $0x4;
	s25 =	sadd.s32 s7, s9;
	s26 =	sshrl.u32 s16, $0x3  }
0x14: {  	s20 =	sshrl.u32 s21, $0x3;
	s21 =	simm.s32 $0x4;
	s22 =	simm.s32 $0x5  }
0x15: {  	s18 =	simm.s32 $0x4D80;
	s0 =	sadd.s32 s0, s19;
	s23 =	sshrl.u32 s12, $0x3  }
0x16: {  	s14 =	sor.u32 $0x9C00, s13;
	s15 =	smax.u32 s15, $0x1;
	s16 =	sshrl.u32 s17, $0x3  }
0x17: {  	s17 =	simm.s32 $0x1;
	s24 =	sadd.s32 s26, s25;
	s25 =	simm.s32 $0x80  }
0x18: {  	s26 =	simm.s32 $0x4F00;
	s19 =	simm.s32 $0x4E00;
	[dreg:$0xa] =	wrdreg s0  }
0x19: {  	s12 =	sadd.s32 $0x4E0, s23;
	s13 =	sadd.s32 s3, s14;
	s14 =	sadd.s32 s5, s14  }
0x1a: {  	s23 =	simm.s32 $0x2780;
	s0 =	simm.s32 $0x3;
	s11 =	sadd.s32 s3, s12  }
0x1b: {  	s12 =	sadd.s32 s5, s12;
	s3 =	simm.s32 $0x4D00;
	s5 =	simm.s32 $0x0  }
.LBB2_1:
0x1c: {  	s6 =	rddreg [dreg:$0xa];
	s7 =	simm.s32 $0x8;
	s9 =	simm.s32 $0x10  }
0x1d: {  	[spmem:s16@s7], [sflag:s8] =	dma.strided [hbm:s6@s9], $0x1388, s17, $0x8   }
0x1e: {  	s6 =	rddreg [dreg:$0x8]  }
0x1f: {  	[spmem:s20], [sflag:s8] =	dma.local [hbm:s6], $0x13C0  }
0x20: {  	_ =	swait.ge [sflag:s21], $0x1388  }
0x21: {  	[sflag:s21] =	ssyncset.done $0x0  }
0x22: {  	[sflag:s21] =	ssyncadd.s32 $0xFFFFEC78  }
0x23: {  	_ =	swait.ge [sflag:s21], $0x13C0  }
0x24: {  	[sflag:s21] =	ssyncset.done $0x0  }
0x25: {  	[sflag:s21] =	ssyncadd.s32 $0xFFFFEC40  }
0x26: {  	[bflag:$0x0] =	sbarrier.arrive $0xFFFF  }
0x27: {  	s10 =	rddreg [dreg:$0xb]  }
0x28: {  	[tilespmem:s4], [sflag:$0x5] =	stream.linear.gather [hbm4b:s10+s4], $0x2700, $0x38;
	[tilespmem:$0x1EB00] =	vst v63  }
0x29: {  	_ =	swait.ge [sflag:s22], $0x2700  }
0x2a: {  	[sflag:s22] =	ssyncset.done $0x0  }
0x2b: {  	s7 =	rddreg [dreg:$0xc];
	[sflag:s22] =	ssyncadd.s32 $0xFFFFD900  }
0x2c: {  	[tilespmem:s23], [sflag:$0x5] =	stream.linear.gather [hbm4b:s7+s4], $0x2700, $0x38;
	[tilespmem:$0x1EB00] =	vst v63  }
0x2d: {  	_ =	swait.ge [sflag:s22], $0x2700  }
0x2e: {  	[sflag:s22] =	ssyncset.done $0x0  }
0x2f: {  	[sflag:s22] =	ssyncadd.s32 $0xFFFFD900  }
0x30: {  	[tilespmem:s26], [sflag:$0x1] =	stream.indirect.gather [spmem:s1], $0x40, s4, s25, $0xb8;
	[tilespmem:$0x1EB00] =	vst v63  }
0x31: {  	_ = 	snop  }
0x32: {  	[tilespmem:s28], [sflag:$0x2] =	stream.indirect.gather [spmem:s1], $0x40, s25, s25, $0xb8;
	[tilespmem:$0x1EB00] =	vst v63  }
0x33: {  	_ = 	snop  }
0x34: {  	[tilespmem:s30], [sflag:$0x3] =	stream.indirect.gather [spmem:s1], $0x40, s29, s25, $0xb8;
	[tilespmem:$0x1EB00] =	vst v63  }
0x35: {  	_ =	swait.ge [sflag:s17], $0x2000  }
0x36: {  	[sflag:s17] =	ssyncset.done $0x0  }
0x37: {  	s9 =	simm.s32 $0x2780;
	[sflag:s17] =	ssyncadd.s32 $0xFFFFE000  }
0x38: {  	[spmem:s2] =	stream.indirect.scatter.add.f32 [tilespmem:s26], [sflag:$0x5], $0x40, s9, s25, $0xb8;
	[tilespmem:$0x1EB00] =	vst v63  }
0x39: {  	_ =	swait.ge [sflag:s22], $0x2000  }
0x3a: {  	[sflag:s22] =	ssyncset.done $0x0  }
0x3b: {  	s10 =	simm.s32 $0x180;
	[sflag:s22] =	ssyncadd.s32 $0xFFFFE000  }
0x3c: {  	[tilespmem:s26], [sflag:$0x1] =	stream.indirect.gather [spmem:s1], $0x40, s10, s25, $0xb8;
	[tilespmem:$0x1EB00] =	vst v63  }
0x3d: {  	_ =	swait.ge [sflag:s31], $0x2000  }
0x3e: {  	[sflag:s31] =	ssyncset.done $0x0  }
0x3f: {  	s6 =	simm.s32 $0x2800;
	[sflag:s31] =	ssyncadd.s32 $0xFFFFE000  }
0x40: {  	[spmem:s2] =	stream.indirect.scatter.add.f32 [tilespmem:s28], [sflag:$0x5], $0x40, s6, s25, $0xb8;
	[tilespmem:$0x1EB00] =	vst v63  }
0x41: {  	_ =	swait.ge [sflag:s22], $0x2000  }
0x42: {  	[sflag:s22] =	ssyncset.done $0x0  }
0x43: {  	s9 =	simm.s32 $0x200;
	[sflag:s22] =	ssyncadd.s32 $0xFFFFE000  }
0x44: {  	[tilespmem:s28], [sflag:$0x2] =	stream.indirect.gather [spmem:s1], $0x40, s9, s25, $0xb8;
	[tilespmem:$0x1EB00] =	vst v63  }
0x45: {  	_ =	swait.ge [sflag:s0], $0x2000  }
0x46: {  	[sflag:s0] =	ssyncset.done $0x0  }
0x47: {  	s10 =	simm.s32 $0x2880;
	[sflag:s0] =	ssyncadd.s32 $0xFFFFE000  }
0x48: {  	[spmem:s2] =	stream.indirect.scatter.add.f32 [tilespmem:s30], [sflag:$0x5], $0x40, s10, s25, $0xb8;
	[tilespmem:$0x1EB00] =	vst v63  }
0x49: {  	_ =	swait.ge [sflag:s22], $0x2000  }
0x4a: {  	[sflag:s22] =	ssyncset.done $0x0  }
0x4b: {  	s7 =	simm.s32 $0x600;
	s9 =	simm.s32 $0x280;
	[sflag:s22] =	ssyncadd.s32 $0xFFFFE000  }
.LBB2_2:
0x4c: {  	[tilespmem:s30], [sflag:$0x3] =	stream.indirect.gather [spmem:s1], $0x40, s9, s25, $0xb8;
	[tilespmem:$0x1EB00] =	vst v63  }
0x4d: {  	s9 =	smov.u32 s7  }
0x4e: {  	p1 =	sne.s32 s7, $0x9000;
	s7 =	sadd.s32 $0x600, s7;
	_ =	swait.ge [sflag:s17], $0x2000  }
0x4f: {  	s9 =	sshra.s32 s9, $0x2;
	[sflag:s17] =	ssyncset.done $0x0  }
0x50: {  	s10 =	sadd.s32 $0x2780, s9;
	[sflag:s17] =	ssyncadd.s32 $0xFFFFE000  }
0x51: {  	[spmem:s2] =	stream.indirect.scatter.add.f32 [tilespmem:s26], [sflag:$0x5], $0x40, s10, s25, $0xb8;
	[tilespmem:$0x1EB00] =	vst v63  }
0x52: {  	_ =	swait.ge [sflag:s22], $0x2000  }
0x53: {  	[sflag:s22] =	ssyncset.done $0x0  }
0x54: {  	s10 =	sadd.s32 $0x180, s9;
	[sflag:s22] =	ssyncadd.s32 $0xFFFFE000  }
0x55: {  	[tilespmem:s26], [sflag:$0x1] =	stream.indirect.gather [spmem:s1], $0x40, s10, s25, $0xb8;
	[tilespmem:$0x1EB00] =	vst v63  }
0x56: {  	_ =	swait.ge [sflag:s31], $0x2000  }
0x57: {  	[sflag:s31] =	ssyncset.done $0x0  }
0x58: {  	s10 =	sadd.s32 $0x2800, s9;
	[sflag:s31] =	ssyncadd.s32 $0xFFFFE000  }
0x59: {  	[spmem:s2] =	stream.indirect.scatter.add.f32 [tilespmem:s28], [sflag:$0x5], $0x40, s10, s25, $0xb8;
	[tilespmem:$0x1EB00] =	vst v63  }
0x5a: {  	_ =	swait.ge [sflag:s22], $0x2000  }
0x5b: {  	[sflag:s22] =	ssyncset.done $0x0  }
0x5c: {  	s10 =	sadd.s32 $0x200, s9;
	[sflag:s22] =	ssyncadd.s32 $0xFFFFE000  }
0x5d: {  	[tilespmem:s28], [sflag:$0x2] =	stream.indirect.gather [spmem:s1], $0x40, s10, s25, $0xb8;
	[tilespmem:$0x1EB00] =	vst v63  }
0x5e: {  	_ =	swait.ge [sflag:s0], $0x2000  }
0x5f: {  	[sflag:s0] =	ssyncset.done $0x0  }
.Ltmp0:
0x60: {  	s10 =	sadd.s32 $0x2880, s9;
	[sflag:s0] =	ssyncadd.s32 $0xFFFFE000;
	(pc) =	sbr.rel @p1 .LBB2_2-.Ltmp0, $4  }
0x61: {  	[spmem:s2] =	stream.indirect.scatter.add.f32 [tilespmem:s30], [sflag:$0x5], $0x40, s10, s25, $0xb8;
	[tilespmem:$0x1EB00] =	vst v63  }
0x62: {  	_ =	swait.ge [sflag:s22], $0x2000  }
0x63: {  	[sflag:s22] =	ssyncset.done $0x0  }
0x64: {  	s9 =	sadd.s32 $0x280, s9;
	[sflag:s22] =	ssyncadd.s32 $0xFFFFE000  }
0x65: {  	[tilespmem:s30], [sflag:$0x3] =	stream.indirect.gather [spmem:s1], $0x40, s9, s25, $0xb8;
	[tilespmem:$0x1EB00] =	vst v63  }
0x66: {  	_ =	swait.ge [sflag:s17], $0x2000  }
0x67: {  	[sflag:s17] =	ssyncset.done $0x0  }
0x68: {  	[sflag:s17] =	ssyncadd.s32 $0xFFFFE000  }
0x69: {  	[spmem:s2] =	stream.indirect.scatter.add.f32 [tilespmem:s26], [sflag:$0x5], $0x40, s3, s25, $0xb8;
	[tilespmem:$0x1EB00] =	vst v63  }
0x6a: {  	_ =	swait.ge [sflag:s22], $0x2000  }
0x6b: {  	[sflag:s22] =	ssyncset.done $0x0  }
0x6c: {  	[sflag:s22] =	ssyncadd.s32 $0xFFFFE000  }
0x6d: {  	_ =	swait.ge [sflag:s31], $0x2000  }
0x6e: {  	[sflag:s31] =	ssyncset.done $0x0  }
0x6f: {  	[sflag:s31] =	ssyncadd.s32 $0xFFFFE000  }
0x70: {  	[spmem:s2] =	stream.indirect.scatter.add.f32 [tilespmem:s28], [sflag:$0x5], $0x40, s18, s25, $0xb8;
	[tilespmem:$0x1EB00] =	vst v63  }
0x71: {  	_ =	swait.ge [sflag:s22], $0x2000  }
0x72: {  	[sflag:s22] =	ssyncset.done $0x0  }
0x73: {  	[sflag:s22] =	ssyncadd.s32 $0xFFFFE000  }
0x74: {  	_ =	swait.ge [sflag:s0], $0x2000  }
0x75: {  	[sflag:s0] =	ssyncset.done $0x0  }
0x76: {  	[sflag:s0] =	ssyncadd.s32 $0xFFFFE000  }
0x77: {  	[spmem:s2] =	stream.indirect.scatter.add.f32 [tilespmem:s30], [sflag:$0x5], $0x40, s19, s25, $0xb8;
	[tilespmem:$0x1EB00] =	vst v63  }
0x78: {  	_ =	swait.ge [sflag:s22], $0x2000  }
0x79: {  	[sflag:s22] =	ssyncset.done $0x0  }
0x7a: {  	[sflag:s22] =	ssyncadd.s32 $0xFFFFE000  }
0x7b: {  	[tilespmem:s4], [sflag:$0x5] =	stream.linear.gather [hbm4b:s11+s4], $0x2700, $0x38;
	[tilespmem:$0x1EB00] =	vst v63  }
0x7c: {  	_ =	swait.ge [sflag:s22], $0x2700  }
0x7d: {  	[sflag:s22] =	ssyncset.done $0x0  }
0x7e: {  	[sflag:s22] =	ssyncadd.s32 $0xFFFFD900  }
0x7f: {  	[tilespmem:s23], [sflag:$0x5] =	stream.linear.gather [hbm4b:s12+s4], $0x2700, $0x38;
	[tilespmem:$0x1EB00] =	vst v63  }
0x80: {  	_ =	swait.ge [sflag:s22], $0x2700  }
0x81: {  	[sflag:s22] =	ssyncset.done $0x0  }
0x82: {  	s7 =	simm.s32 @!p0 $0x0;
	s9 =	simm.s32 @!p0 $0x2700;
	[sflag:s22] =	ssyncadd.s32 $0xFFFFD900  }
0x83: {  	[tilespmem:s9], [sflag:$0x5] =	stream.linear.gather @!p0 [hbm4b:s13+s7], $0x80, $0x38;
	[tilespmem:$0x1EB00] =	vst v63  }
0x84: {  	s9 =	simm.s32 @!p0 $0x5  }
0x85: {  	_ =	swait.ge @!p0 [sflag:s9], $0x80  }
0x86: {  	[sflag:s9] =	ssyncset.done @!p0 $0x0  }
0x87: {  	s10 =	simm.s32 @!p0 $0x4E80;
	[sflag:s9] =	ssyncadd.s32 @!p0 $0xFFFFFF80  }
0x88: {  	[tilespmem:s10], [sflag:$0x5] =	stream.linear.gather @!p0 [hbm4b:s14+s7], $0x80, $0x38;
	[tilespmem:$0x1EB00] =	vst v63  }
0x89: {  	_ =	swait.ge @!p0 [sflag:s9], $0x80  }
0x8a: {  	[sflag:s9] =	ssyncset.done @!p0 $0x0  }
0x8b: {  	s6 =	simm.s32 $0x0;
	[sflag:s9] =	ssyncadd.s32 @!p0 $0xFFFFFF80  }
0x8c: {  	[tilespmem:s26], [sflag:$0x1] =	stream.indirect.gather [spmem:s1], $0x40, s6, s25, $0xb8;
	[tilespmem:$0x1EB00] =	vst v63  }
0x8d: {  	_ = 	snop  }
0x8e: {  	[tilespmem:s28], [sflag:$0x2] =	stream.indirect.gather [spmem:s1], $0x40, s25, s25, $0xb8;
	[tilespmem:$0x1EB00] =	vst v63  }
0x8f: {  	_ = 	snop  }
0x90: {  	[tilespmem:s30], [sflag:$0x3] =	stream.indirect.gather [spmem:s1], $0x40, s29, s25, $0xb8;
	[tilespmem:$0x1EB00] =	vst v63  }
0x91: {  	_ =	swait.ge [sflag:s17], $0x2000  }
0x92: {  	[sflag:s17] =	ssyncset.done $0x0  }
0x93: {  	s9 =	simm.s32 $0x2780;
	[sflag:s17] =	ssyncadd.s32 $0xFFFFE000  }
0x94: {  	[spmem:s2] =	stream.indirect.scatter.add.f32 [tilespmem:s26], [sflag:$0x5], $0x40, s9, s25, $0xb8;
	[tilespmem:$0x1EB00] =	vst v63  }
0x95: {  	_ =	swait.ge [sflag:s22], $0x2000  }
0x96: {  	[sflag:s22] =	ssyncset.done $0x0  }
0x97: {  	s10 =	simm.s32 $0x180;
	[sflag:s22] =	ssyncadd.s32 $0xFFFFE000  }
0x98: {  	[tilespmem:s26], [sflag:$0x1] =	stream.indirect.gather [spmem:s1], $0x40, s10, s25, $0xb8;
	[tilespmem:$0x1EB00] =	vst v63  }
0x99: {  	_ =	swait.ge [sflag:s31], $0x2000  }
0x9a: {  	[sflag:s31] =	ssyncset.done $0x0  }
0x9b: {  	s6 =	simm.s32 $0x2800;
	[sflag:s31] =	ssyncadd.s32 $0xFFFFE000  }
0x9c: {  	[spmem:s2] =	stream.indirect.scatter.add.f32 [tilespmem:s28], [sflag:$0x5], $0x40, s6, s25, $0xb8;
	[tilespmem:$0x1EB00] =	vst v63  }
0x9d: {  	_ =	swait.ge [sflag:s22], $0x2000  }
0x9e: {  	[sflag:s22] =	ssyncset.done $0x0  }
0x9f: {  	s9 =	simm.s32 $0x200;
	[sflag:s22] =	ssyncadd.s32 $0xFFFFE000  }
0xa0: {  	[tilespmem:s28], [sflag:$0x2] =	stream.indirect.gather [spmem:s1], $0x40, s9, s25, $0xb8;
	[tilespmem:$0x1EB00] =	vst v63  }
0xa1: {  	_ =	swait.ge [sflag:s0], $0x2000  }
0xa2: {  	[sflag:s0] =	ssyncset.done $0x0  }
0xa3: {  	s10 =	simm.s32 $0x2880;
	[sflag:s0] =	ssyncadd.s32 $0xFFFFE000  }
0xa4: {  	[spmem:s2] =	stream.indirect.scatter.add.f32 [tilespmem:s30], [sflag:$0x5], $0x40, s10, s25, $0xb8;
	[tilespmem:$0x1EB00] =	vst v63  }
0xa5: {  	_ =	swait.ge [sflag:s22], $0x2000  }
0xa6: {  	[sflag:s22] =	ssyncset.done $0x0  }
0xa7: {  	s7 =	simm.s32 $0x600;
	s9 =	simm.s32 $0x280;
	[sflag:s22] =	ssyncadd.s32 $0xFFFFE000  }
.LBB2_4:
0xa8: {  	[tilespmem:s30], [sflag:$0x3] =	stream.indirect.gather [spmem:s1], $0x40, s9, s25, $0xb8;
	[tilespmem:$0x1EB00] =	vst v63  }
0xa9: {  	s9 =	smov.u32 s7  }
0xaa: {  	p1 =	sne.s32 s7, $0x9000;
	s7 =	sadd.s32 $0x600, s7;
	_ =	swait.ge [sflag:s17], $0x2000  }
0xab: {  	s9 =	sshra.s32 s9, $0x2;
	[sflag:s17] =	ssyncset.done $0x0  }
0xac: {  	s10 =	sadd.s32 $0x2780, s9;
	[sflag:s17] =	ssyncadd.s32 $0xFFFFE000  }
0xad: {  	[spmem:s2] =	stream.indirect.scatter.add.f32 [tilespmem:s26], [sflag:$0x5], $0x40, s10, s25, $0xb8;
	[tilespmem:$0x1EB00] =	vst v63  }
0xae: {  	_ =	swait.ge [sflag:s22], $0x2000  }
0xaf: {  	[sflag:s22] =	ssyncset.done $0x0  }
0xb0: {  	s10 =	sadd.s32 $0x180, s9;
	[sflag:s22] =	ssyncadd.s32 $0xFFFFE000  }
0xb1: {  	[tilespmem:s26], [sflag:$0x1] =	stream.indirect.gather [spmem:s1], $0x40, s10, s25, $0xb8;
	[tilespmem:$0x1EB00] =	vst v63  }
0xb2: {  	_ =	swait.ge [sflag:s31], $0x2000  }
0xb3: {  	[sflag:s31] =	ssyncset.done $0x0  }
0xb4: {  	s10 =	sadd.s32 $0x2800, s9;
	[sflag:s31] =	ssyncadd.s32 $0xFFFFE000  }
0xb5: {  	[spmem:s2] =	stream.indirect.scatter.add.f32 [tilespmem:s28], [sflag:$0x5], $0x40, s10, s25, $0xb8;
	[tilespmem:$0x1EB00] =	vst v63  }
0xb6: {  	_ =	swait.ge [sflag:s22], $0x2000  }
0xb7: {  	[sflag:s22] =	ssyncset.done $0x0  }
0xb8: {  	s10 =	sadd.s32 $0x200, s9;
	[sflag:s22] =	ssyncadd.s32 $0xFFFFE000  }
0xb9: {  	[tilespmem:s28], [sflag:$0x2] =	stream.indirect.gather [spmem:s1], $0x40, s10, s25, $0xb8;
	[tilespmem:$0x1EB00] =	vst v63  }
0xba: {  	_ =	swait.ge [sflag:s0], $0x2000  }
0xbb: {  	[sflag:s0] =	ssyncset.done $0x0  }
.Ltmp1:
0xbc: {  	s10 =	sadd.s32 $0x2880, s9;
	[sflag:s0] =	ssyncadd.s32 $0xFFFFE000;
	(pc) =	sbr.rel @p1 .LBB2_4-.Ltmp1, $4  }
0xbd: {  	[spmem:s2] =	stream.indirect.scatter.add.f32 [tilespmem:s30], [sflag:$0x5], $0x40, s10, s25, $0xb8;
	[tilespmem:$0x1EB00] =	vst v63  }
0xbe: {  	_ =	swait.ge [sflag:s22], $0x2000  }
0xbf: {  	[sflag:s22] =	ssyncset.done $0x0  }
0xc0: {  	s9 =	sadd.s32 $0x280, s9;
	[sflag:s22] =	ssyncadd.s32 $0xFFFFE000  }
0xc1: {  	[tilespmem:s30], [sflag:$0x3] =	stream.indirect.gather [spmem:s1], $0x40, s9, s25, $0xb8;
	[tilespmem:$0x1EB00] =	vst v63  }
0xc2: {  	_ =	swait.ge [sflag:s17], $0x2000  }
0xc3: {  	[sflag:s17] =	ssyncset.done $0x0  }
0xc4: {  	[sflag:s17] =	ssyncadd.s32 $0xFFFFE000  }
0xc5: {  	[spmem:s2] =	stream.indirect.scatter.add.f32 [tilespmem:s26], [sflag:$0x5], $0x40, s3, s25, $0xb8;
	[tilespmem:$0x1EB00] =	vst v63  }
0xc6: {  	_ =	swait.ge [sflag:s22], $0x2000  }
0xc7: {  	[sflag:s22] =	ssyncset.done $0x0  }
0xc8: {  	[sflag:s22] =	ssyncadd.s32 $0xFFFFE000  }
0xc9: {  	_ =	swait.ge [sflag:s31], $0x2000  }
0xca: {  	[sflag:s31] =	ssyncset.done $0x0  }
0xcb: {  	[sflag:s31] =	ssyncadd.s32 $0xFFFFE000  }
0xcc: {  	[spmem:s2] =	stream.indirect.scatter.add.f32 [tilespmem:s28], [sflag:$0x5], $0x40, s18, s25, $0xb8;
	[tilespmem:$0x1EB00] =	vst v63  }
0xcd: {  	_ =	swait.ge [sflag:s22], $0x2000  }
0xce: {  	[sflag:s22] =	ssyncset.done $0x0  }
0xcf: {  	[sflag:s22] =	ssyncadd.s32 $0xFFFFE000  }
0xd0: {  	_ =	swait.ge [sflag:s0], $0x2000  }
0xd1: {  	[sflag:s0] =	ssyncset.done $0x0  }
0xd2: {  	[sflag:s0] =	ssyncadd.s32 $0xFFFFE000  }
0xd3: {  	[spmem:s2] =	stream.indirect.scatter.add.f32 [tilespmem:s30], [sflag:$0x5], $0x40, s19, s25, $0xb8;
	[tilespmem:$0x1EB00] =	vst v63  }
0xd4: {  	_ =	swait.ge [sflag:s22], $0x2000  }
0xd5: {  	s7 =	simm.s32 @!p0 $0x80;
	[sflag:s22] =	ssyncset.done $0x0  }
0xd6: {  	s9 =	simm.s32 @!p0 $0x2700;
	s10 =	simm.s32 @!p0 $0x4F00;
	[sflag:s22] =	ssyncadd.s32 $0xFFFFE000  }
0xd7: {  	[tilespmem:s10], [sflag:$0x5] =	stream.indirect.gather @!p0 [spmem:s1], $0x40, s9, s7, $0xb8;
	[tilespmem:$0x1EB00] =	vst v63  }
0xd8: {  	s9 =	simm.s32 @!p0 $0x5  }
0xd9: {  	_ =	swait.ge @!p0 [sflag:s9], $0x2000  }
0xda: {  	[sflag:s9] =	ssyncset.done @!p0 $0x0  }
0xdb: {  	s6 =	simm.s32 @!p0 $0x4E80;
	[sflag:s9] =	ssyncadd.s32 @!p0 $0xFFFFE000  }
0xdc: {  	[spmem:s2] =	stream.indirect.scatter.add.f32 @!p0 [tilespmem:s10], [sflag:$0x5], $0x40, s6, s7, $0xb8;
	[tilespmem:$0x1EB00] =	vst v63  }
0xdd: {  	_ =	swait.ge @!p0 [sflag:s9], $0x2000  }
0xde: {  	[sflag:s9] =	ssyncset.done @!p0 $0x0  }
0xdf: {  	[sflag:s9] =	ssyncadd.s32 @!p0 $0xFFFFE000  }
0xe0: {  	s5 =	sadd.s32 $0x1, s5;
	[bflag:$0x0] =	sbarrier.arrive $0xFFFF  }
0xe1: {  	p1 =	sne.s32 s5, s15;
	s10 =	rddreg [dreg:$0x9]  }
.Ltmp2:
0xe2: {  	s6 =	sor.u32 $0x1C05, s10;
	(pc) =	sbr.rel @p1 .LBB2_1-.Ltmp2, $4  }
0xe3: {  	[hbm:s24], [sflag:s6] =	dma.local [spmem:s20], $0x13C0  }
0xe4: {  	_ =	swait.ge [sflag:s22], $0x13C0  }
0xe5: {  	[sflag:s22] =	ssyncset.done $0x0  }
0xe6: {  	[sflag:s22] =	ssyncadd.s32 $0xFFFFEC40  }
0xe7: {  	_ =	sfence.sel $0x180000  }
0xe8: {  	[bflag:$0x0] =	sbarrier.arrive $0xFFFF  }
0xe9: {  	_ =	strace $0x90000047  }
0xea: {  	s0 =	stileid.u32;
	[bflag:$0x2] =	sbarrier.arrive $0xFFFF  }
0xeb: {  	p0 =	sne.s32 s0, $0x0;
	s0 =	rddreg [dreg:$0x7]  }
0xec: {  	s0 =	sadd.s32 @!p0 $0x100000, s0  }
0xed: {  	[sflag:s0] =	ssyncadd.tile.s32 @!p0 $0x1;
	_ =	shalt  }
.Lfunc_end2:
_tile_overlayer_lowered:
.L_overlay_start_2:
0xee: {  	(tag) =	ssettag $0x2  }
0xef: {  	s0 =	rddreg [dreg:$0x0];
	s2 =	stileid.u32  }
0xf0: {  	s1 =	rddreg [dreg:$0x1];
	p0 =	sne.s32 s2, $0x0  }
0xf1: {  	s3 =	rddreg [dreg:$0x2];
	[bflag:$0x3] =	sbarrier.arrive $0xFFFF;
	s2 =	simm.s32 @!p0 $0x1C05  }
0xf2: {  	[timem:s3], [sflag:s2] =	dma.local @!p0 [hbm:s0], s1  }
0xf3: {  	s0 =	simm.s32 @!p0 $0x5  }
0xf4: {  	_ =	swait.ge @!p0 [sflag:s0], s1  }
0xf5: {  	s1 =	ssub.s32 @!p0 $0x0, s1;
	[sflag:s0] =	ssyncset.done @!p0 $0x0  }
0xf6: {  	[sflag:s0] =	ssyncadd.s32 @!p0 s1  }
0xf7: {  	[bflag:$0x3] =	sbarrier.arrive $0xFFFF  }
0xf8: {  	_ =	shalt  }

</sc_bundles>
